<compile_context>
chip_gen: v7x
topology: tpu7x:2x2x1
jax: 0.10.2.dev20260603
libtpu: 0.0.44.dev20260713+nightly
codegen_flags: <defaults>
</compile_context>

<pallas_src>
import functools

import jax
import jax.numpy as jnp
from jax import lax
from jax.experimental import pallas as pl
from jax.experimental.pallas import tpu as pltpu
from jax.experimental.pallas import tpu_sc as plsc

B, S, V, D = 16384, 200, 100, 10
VPAD = 104
REP = 16

_info = plsc.get_sparse_core_info()
NC, NS, L = _info.num_cores, _info.num_subcores, _info.num_lanes
NW = NC * NS
BW = B // NW
ST = S // 8
KG = BW // L


def _sc_body(x_hbm, tab_hbm, out_hbm, tab_v, x_v0, x_v1, out_v0, out_v1,
             sem0, sem1, semx0, semx1):
    wid = lax.axis_index("s") * NC + lax.axis_index("c")
    b0 = wid * BW

    pltpu.sync_copy(tab_hbm, tab_v)
    iota = lax.iota(jnp.int32, L)
    zeros = jnp.full((L,), 0.0, jnp.float32)
    for d in range(D):
        tab_v[pl.ds(d * VPAD * REP, L)] = zeros

    dbase = [jnp.full((L,), d * VPAD * REP, jnp.int32) for d in range(D)]

    def x_slice(st):
        return x_hbm.at[pl.ds(st * 8, 8), pl.ds(b0, BW)]

    def out_slice(st):
        return out_hbm.at[:, pl.ds(st * 8, 8), pl.ds(b0, BW)]

    def compute_tile(x_v, out_v):
        @plsc.parallel_loop(0, 8 * KG, unroll=2)
        def k_body(k):
            s_in = k >> 5
            kk = k & (KG - 1)
            x16 = x_v[s_in, pl.ds(kk * L, L)]
            lane_idx = (x16 << 4) + iota
            vals = [plsc.load_gather(tab_v, [dbase[d] + lane_idx])
                    for d in range(D)]
            for d in range(D):
                out_v[d, s_in, pl.ds(kk * L, L)] = vals[d]

    pltpu.async_copy(x_slice(0), x_v0, semx0)
    pltpu.async_copy(x_slice(1), x_v1, semx1)

    pltpu.make_async_copy(x_slice(0), x_v0, semx0).wait()
    compute_tile(x_v0, out_v0)
    pltpu.async_copy(out_v0, out_slice(0), sem0)
    pltpu.async_copy(x_slice(2), x_v0, semx0)

    pltpu.make_async_copy(x_slice(1), x_v1, semx1).wait()
    compute_tile(x_v1, out_v1)
    pltpu.async_copy(out_v1, out_slice(1), sem1)
    pltpu.async_copy(x_slice(3), x_v1, semx1)

    def pair_body(g, carry):
        st = 2 + 2 * g
        pltpu.make_async_copy(out_v0, out_slice(st), sem0).wait()
        pltpu.make_async_copy(x_slice(st), x_v0, semx0).wait()
        compute_tile(x_v0, out_v0)
        pltpu.async_copy(out_v0, out_slice(st), sem0)
        pltpu.async_copy(x_slice(st + 2), x_v0, semx0)

        pltpu.make_async_copy(out_v1, out_slice(st + 1), sem1).wait()
        pltpu.make_async_copy(x_slice(st + 1), x_v1, semx1).wait()
        compute_tile(x_v1, out_v1)
        pltpu.async_copy(out_v1, out_slice(st + 1), sem1)

        @pl.when(st + 3 < ST)
        def _():
            pltpu.async_copy(x_slice(st + 3), x_v1, semx1)

        return carry

    lax.fori_loop(0, (ST - 3) // 2, pair_body, 0)

    pltpu.make_async_copy(out_v0, out_slice(ST - 1), sem0).wait()
    pltpu.make_async_copy(x_slice(ST - 1), x_v0, semx0).wait()
    compute_tile(x_v0, out_v0)
    pltpu.async_copy(out_v0, out_slice(ST - 1), sem0)
    pltpu.make_async_copy(out_v0, out_slice(ST - 1), sem0).wait()
    pltpu.make_async_copy(out_v1, out_slice(ST - 2), sem1).wait()


@jax.jit
def kernel(x, table):
    tab_t = jnp.zeros((D, VPAD), jnp.float32).at[:, :V].set(table.T)
    tab_rep = jnp.broadcast_to(tab_t[:, :, None], (D, VPAD, REP)).reshape(-1)
    xt = x.T.astype(jnp.int32)

    mesh = plsc.VectorSubcoreMesh(core_axis_name="c", subcore_axis_name="s")
    run = functools.partial(
        pl.kernel,
        mesh=mesh,
        out_type=jax.ShapeDtypeStruct((D, S, B), jnp.float32),
        scratch_types=[
            pltpu.VMEM((D * VPAD * REP,), jnp.float32),
            pltpu.VMEM((8, BW), jnp.int32),
            pltpu.VMEM((8, BW), jnp.int32),
            pltpu.VMEM((D, 8, BW), jnp.float32),
            pltpu.VMEM((D, 8, BW), jnp.float32),
            pltpu.SemaphoreType.DMA,
            pltpu.SemaphoreType.DMA,
            pltpu.SemaphoreType.DMA,
            pltpu.SemaphoreType.DMA,
        ],
        compiler_params=pltpu.CompilerParams(
            needs_layout_passes=False,
            use_tc_tiling_on_sc=True,
        ),
    )(_sc_body)
    out_t = run(xt, tab_rep)
    return out_t.transpose(2, 1, 0)

# --- scband reference (transcript-rebuilt; emitter-appended) ---
"""Pipeline reference for scband-nemodule-11879879542646 (READ-ONLY COPY).

The authoritative reference and input builder live on the scoring server;
editing this copy changes nothing except your own understanding.
"""

import jax, jax.numpy as jnp
import numpy as np


def setup_inputs(seed: int = 0) -> dict:
    key = jax.random.key(seed)
    k1, k2 = jax.random.split(key)
    x = jax.random.randint(k1, (16384, 200), 0, 100)
    table = jax.random.normal(k2, (100, 10), dtype=jnp.float32)
    return {"x": x, "table": table}


def reference(x, table):
    # emb = self.embedding(x)
    emb = jnp.take(table, x, axis=0)
    # mask = torch.ne(x, 0)
    mask = (x != 0).astype(jnp.float32)
    # emb * mask.unsqueeze(2).expand_as(emb).float()
    return emb * mask[..., None]

if __name__ == "__main__":
    import jax
    _d = setup_inputs()
    print(jax.jit(kernel)(*tuple(_d.values())))

</pallas_src>

<mosaic_0001>
#map = affine_map<(d0, d1) -> (0, 0)>
#map1 = affine_map<(d0, d1) -> (0)>
#map2 = affine_map<(d0, d1) -> (0, 0, 0)>
module attributes {stable_mosaic.version = 14 : i64} {
  func.func @_sc_body(%arg0: i32, %arg1: i32, %arg2: memref<200x16384xi32, #tpu.memory_space<hbm>>, %arg3: memref<16640xf32, #tpu.memory_space<hbm>>, %arg4: memref<10x200x16384xf32, #tpu.memory_space<hbm>>, %arg5: memref<16640xf32, #tpu.memory_space<vmem>>, %arg6: memref<8x512xi32, #tpu.memory_space<vmem>>, %arg7: memref<8x512xi32, #tpu.memory_space<vmem>>, %arg8: memref<10x8x512xf32, #tpu.memory_space<vmem>>, %arg9: memref<10x8x512xf32, #tpu.memory_space<vmem>>, %arg10: memref<!tpu.dma_semaphore, #tpu.memory_space<semaphore_mem>>, %arg11: memref<!tpu.dma_semaphore, #tpu.memory_space<semaphore_mem>>, %arg12: memref<!tpu.dma_semaphore, #tpu.memory_space<semaphore_mem>>, %arg13: memref<!tpu.dma_semaphore, #tpu.memory_space<semaphore_mem>>) attributes {dimension_semantics = [#tpu.dimension_semantics<core_parallel>, #tpu.dimension_semantics<subcore_parallel>], iteration_bounds = array<i64: 2, 16>, scalar_prefetch = 0 : i64, scratch_operands = 9 : i64, tpu.core_type = #tpu.core_type<sc_vector_subcore>, window_params = [{transform_indices = #map}, {transform_indices = #map1}, {transform_indices = #map2}]} {
    %mul3A = arith.constant 2 : i32
    %mul3A_0 = arith.muli %arg1, %mul3A : i32
    %add3A = arith.addi %mul3A_0, %arg0 : i32
    %mul3A_1 = arith.constant 512 : i32
    %mul3A_2 = arith.muli %add3A, %mul3A_1 : i32
    "tpu.region"() ({
      %run_scoped3A = tpu.sem_alloc : memref<!tpu.dma_semaphore, #tpu.memory_space<semaphore_mem>>
      tpu.enqueue_dma source(%arg3 : memref<16640xf32, #tpu.memory_space<hbm>>) target(%arg5 : memref<16640xf32, #tpu.memory_space<vmem>>) target_semaphore(%run_scoped3A : memref<!tpu.dma_semaphore, #tpu.memory_space<semaphore_mem>>)
      tpu.wait_dma2 semaphore(%run_scoped3A : memref<!tpu.dma_semaphore, #tpu.memory_space<semaphore_mem>>) src(%arg3 : memref<16640xf32, #tpu.memory_space<hbm>>) dst(%arg5 : memref<16640xf32, #tpu.memory_space<vmem>>)
      tpu.yield
    }) : () -> ()
    %iota3A = tpu.iota {dimensions = array<i32: 0>} : vector<16xi32>
    %broadcast_in_dim3A = arith.constant 0.000000e+00 : f32
    %broadcast_in_dim3A_3 = vector.broadcast %broadcast_in_dim3A : f32 to vector<16xf32>
    %swap3A = arith.constant 0 : index
    %swap3A_4 = tpu.vector_load %arg5[%swap3A] {strides = array<i32>} : memref<16640xf32, #tpu.memory_space<vmem>>, vector<16xf32>,
    tpu.vector_store %arg5[%swap3A], %broadcast_in_dim3A_3 {strides = array<i32>} : memref<16640xf32, #tpu.memory_space<vmem>>, vector<16xf32>,
    %swap3A_5 = arith.constant 1664 : index
    %swap3A_6 = tpu.vector_load %arg5[%swap3A_5] {strides = array<i32>} : memref<16640xf32, #tpu.memory_space<vmem>>, vector<16xf32>,
    tpu.vector_store %arg5[%swap3A_5], %broadcast_in_dim3A_3 {strides = array<i32>} : memref<16640xf32, #tpu.memory_space<vmem>>, vector<16xf32>,
    %swap3A_7 = arith.constant 3328 : index
    %swap3A_8 = tpu.vector_load %arg5[%swap3A_7] {strides = array<i32>} : memref<16640xf32, #tpu.memory_space<vmem>>, vector<16xf32>,
    tpu.vector_store %arg5[%swap3A_7], %broadcast_in_dim3A_3 {strides = array<i32>} : memref<16640xf32, #tpu.memory_space<vmem>>, vector<16xf32>,
    %swap3A_9 = arith.constant 4992 : index
    %swap3A_10 = tpu.vector_load %arg5[%swap3A_9] {strides = array<i32>} : memref<16640xf32, #tpu.memory_space<vmem>>, vector<16xf32>,
    tpu.vector_store %arg5[%swap3A_9], %broadcast_in_dim3A_3 {strides = array<i32>} : memref<16640xf32, #tpu.memory_space<vmem>>, vector<16xf32>,
    %swap3A_11 = arith.constant 6656 : index
    %swap3A_12 = tpu.vector_load %arg5[%swap3A_11] {strides = array<i32>} : memref<16640xf32, #tpu.memory_space<vmem>>, vector<16xf32>,
    tpu.vector_store %arg5[%swap3A_11], %broadcast_in_dim3A_3 {strides = array<i32>} : memref<16640xf32, #tpu.memory_space<vmem>>, vector<16xf32>,
    %swap3A_13 = arith.constant 8320 : index
    %swap3A_14 = tpu.vector_load %arg5[%swap3A_13] {strides = array<i32>} : memref<16640xf32, #tpu.memory_space<vmem>>, vector<16xf32>,
    tpu.vector_store %arg5[%swap3A_13], %broadcast_in_dim3A_3 {strides = array<i32>} : memref<16640xf32, #tpu.memory_space<vmem>>, vector<16xf32>,
    %swap3A_15 = arith.constant 9984 : index
    %swap3A_16 = tpu.vector_load %arg5[%swap3A_15] {strides = array<i32>} : memref<16640xf32, #tpu.memory_space<vmem>>, vector<16xf32>,
    tpu.vector_store %arg5[%swap3A_15], %broadcast_in_dim3A_3 {strides = array<i32>} : memref<16640xf32, #tpu.memory_space<vmem>>, vector<16xf32>,
    %swap3A_17 = arith.constant 11648 : index
    %swap3A_18 = tpu.vector_load %arg5[%swap3A_17] {strides = array<i32>} : memref<16640xf32, #tpu.memory_space<vmem>>, vector<16xf32>,
    tpu.vector_store %arg5[%swap3A_17], %broadcast_in_dim3A_3 {strides = array<i32>} : memref<16640xf32, #tpu.memory_space<vmem>>, vector<16xf32>,
    %swap3A_19 = arith.constant 13312 : index
    %swap3A_20 = tpu.vector_load %arg5[%swap3A_19] {strides = array<i32>} : memref<16640xf32, #tpu.memory_space<vmem>>, vector<16xf32>,
    tpu.vector_store %arg5[%swap3A_19], %broadcast_in_dim3A_3 {strides = array<i32>} : memref<16640xf32, #tpu.memory_space<vmem>>, vector<16xf32>,
    %swap3A_21 = arith.constant 14976 : index
    %swap3A_22 = tpu.vector_load %arg5[%swap3A_21] {strides = array<i32>} : memref<16640xf32, #tpu.memory_space<vmem>>, vector<16xf32>,
    tpu.vector_store %arg5[%swap3A_21], %broadcast_in_dim3A_3 {strides = array<i32>} : memref<16640xf32, #tpu.memory_space<vmem>>, vector<16xf32>,
    %broadcast_in_dim3A_23 = arith.constant 0 : i32
    %broadcast_in_dim3A_24 = vector.broadcast %broadcast_in_dim3A_23 : i32 to vector<16xi32>
    %broadcast_in_dim3A_25 = arith.constant 1664 : i32
    %broadcast_in_dim3A_26 = vector.broadcast %broadcast_in_dim3A_25 : i32 to vector<16xi32>
    %broadcast_in_dim3A_27 = arith.constant 3328 : i32
    %broadcast_in_dim3A_28 = vector.broadcast %broadcast_in_dim3A_27 : i32 to vector<16xi32>
    %broadcast_in_dim3A_29 = arith.constant 4992 : i32
    %broadcast_in_dim3A_30 = vector.broadcast %broadcast_in_dim3A_29 : i32 to vector<16xi32>
    %broadcast_in_dim3A_31 = arith.constant 6656 : i32
    %broadcast_in_dim3A_32 = vector.broadcast %broadcast_in_dim3A_31 : i32 to vector<16xi32>
    %broadcast_in_dim3A_33 = arith.constant 8320 : i32
    %broadcast_in_dim3A_34 = vector.broadcast %broadcast_in_dim3A_33 : i32 to vector<16xi32>
    %broadcast_in_dim3A_35 = arith.constant 9984 : i32
    %broadcast_in_dim3A_36 = vector.broadcast %broadcast_in_dim3A_35 : i32 to vector<16xi32>
    %broadcast_in_dim3A_37 = arith.constant 11648 : i32
    %broadcast_in_dim3A_38 = vector.broadcast %broadcast_in_dim3A_37 : i32 to vector<16xi32>
    %broadcast_in_dim3A_39 = arith.constant 13312 : i32
    %broadcast_in_dim3A_40 = vector.broadcast %broadcast_in_dim3A_39 : i32 to vector<16xi32>
    %broadcast_in_dim3A_41 = arith.constant 14976 : i32
    %broadcast_in_dim3A_42 = vector.broadcast %broadcast_in_dim3A_41 : i32 to vector<16xi32>
    %dma_start3A = arith.constant 0 : i32
    %dma_start3A_43 = tpu.memref_slice %arg2[%dma_start3A, %mul3A_2] : memref<200x16384xi32, #tpu.memory_space<hbm>> -> memref<8x512xi32, #tpu.memory_space<hbm>>
    %dma_start3A_44 = arith.constant 0 : i32
    %dma_start3A_45 = tpu.memref_slice %arg2[%dma_start3A_44, %mul3A_2] : memref<200x16384xi32, #tpu.memory_space<hbm>> -> memref<8x512xi32, #tpu.memory_space<hbm>>
    tpu.enqueue_dma source(%dma_start3A_45 : memref<8x512xi32, #tpu.memory_space<hbm>>) target(%arg6 : memref<8x512xi32, #tpu.memory_space<vmem>>) target_semaphore(%arg12 : memref<!tpu.dma_semaphore, #tpu.memory_space<semaphore_mem>>)
    %dma_start3A_46 = arith.constant 8 : i32
    %dma_start3A_47 = tpu.memref_slice %arg2[%dma_start3A_46, %mul3A_2] : memref<200x16384xi32, #tpu.memory_space<hbm>> -> memref<8x512xi32, #tpu.memory_space<hbm>>
    %dma_start3A_48 = arith.constant 8 : i32
    %dma_start3A_49 = tpu.memref_slice %arg2[%dma_start3A_48, %mul3A_2] : memref<200x16384xi32, #tpu.memory_space<hbm>> -> memref<8x512xi32, #tpu.memory_space<hbm>>
    tpu.enqueue_dma source(%dma_start3A_49 : memref<8x512xi32, #tpu.memory_space<hbm>>) target(%arg7 : memref<8x512xi32, #tpu.memory_space<vmem>>) target_semaphore(%arg13 : memref<!tpu.dma_semaphore, #tpu.memory_space<semaphore_mem>>)
    %dma_wait3A = arith.constant 0 : i32
    %dma_wait3A_50 = tpu.memref_slice %arg2[%dma_wait3A, %mul3A_2] : memref<200x16384xi32, #tpu.memory_space<hbm>> -> memref<8x512xi32, #tpu.memory_space<hbm>>
    %dma_wait3A_51 = arith.constant 0 : i32
    %dma_wait3A_52 = tpu.memref_slice %arg2[%dma_wait3A_51, %mul3A_2] : memref<200x16384xi32, #tpu.memory_space<hbm>> -> memref<8x512xi32, #tpu.memory_space<hbm>>
    tpu.wait_dma2 semaphore(%arg12 : memref<!tpu.dma_semaphore, #tpu.memory_space<semaphore_mem>>) src(%dma_wait3A_52 : memref<8x512xi32, #tpu.memory_space<hbm>>) dst(%arg6 : memref<8x512xi32, #tpu.memory_space<vmem>>)
    %parallel_loop3A = arith.constant 0 : i32
    %parallel_loop3A_53 = arith.constant 256 : i32
    %parallel_loop3A_54 = arith.constant 1 : i32
    scf.for %parallel_loop3A_118 = %parallel_loop3A to %parallel_loop3A_53 step %parallel_loop3A_54  : i32 {
      %parallel_loop3A_119 = arith.constant 5 : i32
      %parallel_loop3A_120 = arith.shrsi %parallel_loop3A_118, %parallel_loop3A_119 : i32
      %parallel_loop3A_121 = arith.constant 31 : i32
      %parallel_loop3A_122 = arith.andi %parallel_loop3A_118, %parallel_loop3A_121 : i32
      %parallel_loop3A_123 = arith.constant 16 : i32
      %parallel_loop3A_124 = arith.muli %parallel_loop3A_122, %parallel_loop3A_123 : i32
      %parallel_loop3A_125 = arith.index_cast %parallel_loop3A_120 : i32 to index
      %parallel_loop3A_126 = arith.index_cast %parallel_loop3A_124 : i32 to index
      %parallel_loop3A_127 = tpu.vector_load %arg6[%parallel_loop3A_125, %parallel_loop3A_126] {strides = array<i32>} : memref<8x512xi32, #tpu.memory_space<vmem>>, vector<16xi32>,
      %parallel_loop3A_128 = arith.constant 4 : i32
      %parallel_loop3A_129 = vector.broadcast %parallel_loop3A_128 : i32 to vector<16xi32>
      %parallel_loop3A_130 = arith.shli %parallel_loop3A_127, %parallel_loop3A_129 : vector<16xi32>
      %parallel_loop3A_131 = arith.addi %parallel_loop3A_130, %iota3A : vector<16xi32>
      %parallel_loop3A_132 = arith.addi %broadcast_in_dim3A_24, %parallel_loop3A_131 : vector<16xi32>
      %parallel_loop3A_133 = tpu.vector_load_idx %arg5[%parallel_loop3A_132] : memref<16640xf32, #tpu.memory_space<vmem>>[vector<16xi32>], vector<16xf32>,
      %parallel_loop3A_134 = arith.addi %broadcast_in_dim3A_26, %parallel_loop3A_131 : vector<16xi32>
      %parallel_loop3A_135 = tpu.vector_load_idx %arg5[%parallel_loop3A_134] : memref<16640xf32, #tpu.memory_space<vmem>>[vector<16xi32>], vector<16xf32>,
      %parallel_loop3A_136 = arith.addi %broadcast_in_dim3A_28, %parallel_loop3A_131 : vector<16xi32>
      %parallel_loop3A_137 = tpu.vector_load_idx %arg5[%parallel_loop3A_136] : memref<16640xf32, #tpu.memory_space<vmem>>[vector<16xi32>], vector<16xf32>,
      %parallel_loop3A_138 = arith.addi %broadcast_in_dim3A_30, %parallel_loop3A_131 : vector<16xi32>
      %parallel_loop3A_139 = tpu.vector_load_idx %arg5[%parallel_loop3A_138] : memref<16640xf32, #tpu.memory_space<vmem>>[vector<16xi32>], vector<16xf32>,
      %parallel_loop3A_140 = arith.addi %broadcast_in_dim3A_32, %parallel_loop3A_131 : vector<16xi32>
      %parallel_loop3A_141 = tpu.vector_load_idx %arg5[%parallel_loop3A_140] : memref<16640xf32, #tpu.memory_space<vmem>>[vector<16xi32>], vector<16xf32>,
      %parallel_loop3A_142 = arith.addi %broadcast_in_dim3A_34, %parallel_loop3A_131 : vector<16xi32>
      %parallel_loop3A_143 = tpu.vector_load_idx %arg5[%parallel_loop3A_142] : memref<16640xf32, #tpu.memory_space<vmem>>[vector<16xi32>], vector<16xf32>,
      %parallel_loop3A_144 = arith.addi %broadcast_in_dim3A_36, %parallel_loop3A_131 : vector<16xi32>
      %parallel_loop3A_145 = tpu.vector_load_idx %arg5[%parallel_loop3A_144] : memref<16640xf32, #tpu.memory_space<vmem>>[vector<16xi32>], vector<16xf32>,
      %parallel_loop3A_146 = arith.addi %broadcast_in_dim3A_38, %parallel_loop3A_131 : vector<16xi32>
      %parallel_loop3A_147 = tpu.vector_load_idx %arg5[%parallel_loop3A_146] : memref<16640xf32, #tpu.memory_space<vmem>>[vector<16xi32>], vector<16xf32>,
      %parallel_loop3A_148 = arith.addi %broadcast_in_dim3A_40, %parallel_loop3A_131 : vector<16xi32>
      %parallel_loop3A_149 = tpu.vector_load_idx %arg5[%parallel_loop3A_148] : memref<16640xf32, #tpu.memory_space<vmem>>[vector<16xi32>], vector<16xf32>,
      %parallel_loop3A_150 = arith.addi %broadcast_in_dim3A_42, %parallel_loop3A_131 : vector<16xi32>
      %parallel_loop3A_151 = tpu.vector_load_idx %arg5[%parallel_loop3A_150] : memref<16640xf32, #tpu.memory_space<vmem>>[vector<16xi32>], vector<16xf32>,
      %parallel_loop3A_152 = arith.constant 16 : i32
      %parallel_loop3A_153 = arith.muli %parallel_loop3A_122, %parallel_loop3A_152 : i32
      %parallel_loop3A_154 = arith.constant 0 : i32
      %parallel_loop3A_155 = arith.index_cast %parallel_loop3A_154 : i32 to index
      %parallel_loop3A_156 = arith.index_cast %parallel_loop3A_120 : i32 to index
      %parallel_loop3A_157 = arith.index_cast %parallel_loop3A_153 : i32 to index
      %parallel_loop3A_158 = tpu.vector_load %arg8[%parallel_loop3A_155, %parallel_loop3A_156, %parallel_loop3A_157] {strides = array<i32>} : memref<10x8x512xf32, #tpu.memory_space<vmem>>, vector<16xf32>,
      tpu.vector_store %arg8[%parallel_loop3A_155, %parallel_loop3A_156, %parallel_loop3A_157], %parallel_loop3A_133 {strides = array<i32>} : memref<10x8x512xf32, #tpu.memory_space<vmem>>, vector<16xf32>,
      %parallel_loop3A_159 = arith.constant 16 : i32
      %parallel_loop3A_160 = arith.muli %parallel_loop3A_122, %parallel_loop3A_159 : i32
      %parallel_loop3A_161 = arith.constant 1 : i32
      %parallel_loop3A_162 = arith.index_cast %parallel_loop3A_161 : i32 to index
      %parallel_loop3A_163 = arith.index_cast %parallel_loop3A_120 : i32 to index
      %parallel_loop3A_164 = arith.index_cast %parallel_loop3A_160 : i32 to index
      %parallel_loop3A_165 = tpu.vector_load %arg8[%parallel_loop3A_162, %parallel_loop3A_163, %parallel_loop3A_164] {strides = array<i32>} : memref<10x8x512xf32, #tpu.memory_space<vmem>>, vector<16xf32>,
      tpu.vector_store %arg8[%parallel_loop3A_162, %parallel_loop3A_163, %parallel_loop3A_164], %parallel_loop3A_135 {strides = array<i32>} : memref<10x8x512xf32, #tpu.memory_space<vmem>>, vector<16xf32>,
      %parallel_loop3A_166 = arith.constant 16 : i32
      %parallel_loop3A_167 = arith.muli %parallel_loop3A_122, %parallel_loop3A_166 : i32
      %parallel_loop3A_168 = arith.constant 2 : i32
      %parallel_loop3A_169 = arith.index_cast %parallel_loop3A_168 : i32 to index
      %parallel_loop3A_170 = arith.index_cast %parallel_loop3A_120 : i32 to index
      %parallel_loop3A_171 = arith.index_cast %parallel_loop3A_167 : i32 to index
      %parallel_loop3A_172 = tpu.vector_load %arg8[%parallel_loop3A_169, %parallel_loop3A_170, %parallel_loop3A_171] {strides = array<i32>} : memref<10x8x512xf32, #tpu.memory_space<vmem>>, vector<16xf32>,
      tpu.vector_store %arg8[%parallel_loop3A_169, %parallel_loop3A_170, %parallel_loop3A_171], %parallel_loop3A_137 {strides = array<i32>} : memref<10x8x512xf32, #tpu.memory_space<vmem>>, vector<16xf32>,
      %parallel_loop3A_173 = arith.constant 16 : i32
      %parallel_loop3A_174 = arith.muli %parallel_loop3A_122, %parallel_loop3A_173 : i32
      %parallel_loop3A_175 = arith.constant 3 : i32
      %parallel_loop3A_176 = arith.index_cast %parallel_loop3A_175 : i32 to index
      %parallel_loop3A_177 = arith.index_cast %parallel_loop3A_120 : i32 to index
      %parallel_loop3A_178 = arith.index_cast %parallel_loop3A_174 : i32 to index
      %parallel_loop3A_179 = tpu.vector_load %arg8[%parallel_loop3A_176, %parallel_loop3A_177, %parallel_loop3A_178] {strides = array<i32>} : memref<10x8x512xf32, #tpu.memory_space<vmem>>, vector<16xf32>,
      tpu.vector_store %arg8[%parallel_loop3A_176, %parallel_loop3A_177, %parallel_loop3A_178], %parallel_loop3A_139 {strides = array<i32>} : memref<10x8x512xf32, #tpu.memory_space<vmem>>, vector<16xf32>,
      %parallel_loop3A_180 = arith.constant 16 : i32
      %parallel_loop3A_181 = arith.muli %parallel_loop3A_122, %parallel_loop3A_180 : i32
      %parallel_loop3A_182 = arith.constant 4 : i32
      %parallel_loop3A_183 = arith.index_cast %parallel_loop3A_182 : i32 to index
      %parallel_loop3A_184 = arith.index_cast %parallel_loop3A_120 : i32 to index
      %parallel_loop3A_185 = arith.index_cast %parallel_loop3A_181 : i32 to index
      %parallel_loop3A_186 = tpu.vector_load %arg8[%parallel_loop3A_183, %parallel_loop3A_184, %parallel_loop3A_185] {strides = array<i32>} : memref<10x8x512xf32, #tpu.memory_space<vmem>>, vector<16xf32>,
      tpu.vector_store %arg8[%parallel_loop3A_183, %parallel_loop3A_184, %parallel_loop3A_185], %parallel_loop3A_141 {strides = array<i32>} : memref<10x8x512xf32, #tpu.memory_space<vmem>>, vector<16xf32>,
      %parallel_loop3A_187 = arith.constant 16 : i32
      %parallel_loop3A_188 = arith.muli %parallel_loop3A_122, %parallel_loop3A_187 : i32
      %parallel_loop3A_189 = arith.constant 5 : i32
      %parallel_loop3A_190 = arith.index_cast %parallel_loop3A_189 : i32 to index
      %parallel_loop3A_191 = arith.index_cast %parallel_loop3A_120 : i32 to index
      %parallel_loop3A_192 = arith.index_cast %parallel_loop3A_188 : i32 to index
      %parallel_loop3A_193 = tpu.vector_load %arg8[%parallel_loop3A_190, %parallel_loop3A_191, %parallel_loop3A_192] {strides = array<i32>} : memref<10x8x512xf32, #tpu.memory_space<vmem>>, vector<16xf32>,
      tpu.vector_store %arg8[%parallel_loop3A_190, %parallel_loop3A_191, %parallel_loop3A_192], %parallel_loop3A_143 {strides = array<i32>} : memref<10x8x512xf32, #tpu.memory_space<vmem>>, vector<16xf32>,
      %parallel_loop3A_194 = arith.constant 16 : i32
      %parallel_loop3A_195 = arith.muli %parallel_loop3A_122, %parallel_loop3A_194 : i32
      %parallel_loop3A_196 = arith.constant 6 : i32
      %parallel_loop3A_197 = arith.index_cast %parallel_loop3A_196 : i32 to index
      %parallel_loop3A_198 = arith.index_cast %parallel_loop3A_120 : i32 to index
      %parallel_loop3A_199 = arith.index_cast %parallel_loop3A_195 : i32 to index
      %parallel_loop3A_200 = tpu.vector_load %arg8[%parallel_loop3A_197, %parallel_loop3A_198, %parallel_loop3A_199] {strides = array<i32>} : memref<10x8x512xf32, #tpu.memory_space<vmem>>, vector<16xf32>,
      tpu.vector_store %arg8[%parallel_loop3A_197, %parallel_loop3A_198, %parallel_loop3A_199], %parallel_loop3A_145 {strides = array<i32>} : memref<10x8x512xf32, #tpu.memory_space<vmem>>, vector<16xf32>,
      %parallel_loop3A_201 = arith.constant 16 : i32
      %parallel_loop3A_202 = arith.muli %parallel_loop3A_122, %parallel_loop3A_201 : i32
      %parallel_loop3A_203 = arith.constant 7 : i32
      %parallel_loop3A_204 = arith.index_cast %parallel_loop3A_203 : i32 to index
      %parallel_loop3A_205 = arith.index_cast %parallel_loop3A_120 : i32 to index
      %parallel_loop3A_206 = arith.index_cast %parallel_loop3A_202 : i32 to index
      %parallel_loop3A_207 = tpu.vector_load %arg8[%parallel_loop3A_204, %parallel_loop3A_205, %parallel_loop3A_206] {strides = array<i32>} : memref<10x8x512xf32, #tpu.memory_space<vmem>>, vector<16xf32>,
      tpu.vector_store %arg8[%parallel_loop3A_204, %parallel_loop3A_205, %parallel_loop3A_206], %parallel_loop3A_147 {strides = array<i32>} : memref<10x8x512xf32, #tpu.memory_space<vmem>>, vector<16xf32>,
      %parallel_loop3A_208 = arith.constant 16 : i32
      %parallel_loop3A_209 = arith.muli %parallel_loop3A_122, %parallel_loop3A_208 : i32
      %parallel_loop3A_210 = arith.constant 8 : i32
      %parallel_loop3A_211 = arith.index_cast %parallel_loop3A_210 : i32 to index
      %parallel_loop3A_212 = arith.index_cast %parallel_loop3A_120 : i32 to index
      %parallel_loop3A_213 = arith.index_cast %parallel_loop3A_209 : i32 to index
      %parallel_loop3A_214 = tpu.vector_load %arg8[%parallel_loop3A_211, %parallel_loop3A_212, %parallel_loop3A_213] {strides = array<i32>} : memref<10x8x512xf32, #tpu.memory_space<vmem>>, vector<16xf32>,
      tpu.vector_store %arg8[%parallel_loop3A_211, %parallel_loop3A_212, %parallel_loop3A_213], %parallel_loop3A_149 {strides = array<i32>} : memref<10x8x512xf32, #tpu.memory_space<vmem>>, vector<16xf32>,
      %parallel_loop3A_215 = arith.constant 16 : i32
      %parallel_loop3A_216 = arith.muli %parallel_loop3A_122, %parallel_loop3A_215 : i32
      %parallel_loop3A_217 = arith.constant 9 : i32
      %parallel_loop3A_218 = arith.index_cast %parallel_loop3A_217 : i32 to index
      %parallel_loop3A_219 = arith.index_cast %parallel_loop3A_120 : i32 to index
      %parallel_loop3A_220 = arith.index_cast %parallel_loop3A_216 : i32 to index
      %parallel_loop3A_221 = tpu.vector_load %arg8[%parallel_loop3A_218, %parallel_loop3A_219, %parallel_loop3A_220] {strides = array<i32>} : memref<10x8x512xf32, #tpu.memory_space<vmem>>, vector<16xf32>,
      tpu.vector_store %arg8[%parallel_loop3A_218, %parallel_loop3A_219, %parallel_loop3A_220], %parallel_loop3A_151 {strides = array<i32>} : memref<10x8x512xf32, #tpu.memory_space<vmem>>, vector<16xf32>,
    } {sc.loop_unroll_factor = 2 : i64, sc.parallel_access}
    %dma_start3A_55 = arith.constant 0 : i32
    %dma_start3A_56 = arith.constant 0 : i32
    %dma_start3A_57 = tpu.memref_slice %arg4[%dma_start3A_55, %dma_start3A_56, %mul3A_2] : memref<10x200x16384xf32, #tpu.memory_space<hbm>> -> memref<10x8x512xf32, #tpu.memory_space<hbm>>
    %dma_start3A_58 = arith.constant 0 : i32
    %dma_start3A_59 = arith.constant 0 : i32
    %dma_start3A_60 = tpu.memref_slice %arg4[%dma_start3A_58, %dma_start3A_59, %mul3A_2] : memref<10x200x16384xf32, #tpu.memory_space<hbm>> -> memref<10x8x512xf32, #tpu.memory_space<hbm>>
    tpu.enqueue_dma source(%arg8 : memref<10x8x512xf32, #tpu.memory_space<vmem>>) target(%dma_start3A_60 : memref<10x8x512xf32, #tpu.memory_space<hbm>>) target_semaphore(%arg10 : memref<!tpu.dma_semaphore, #tpu.memory_space<semaphore_mem>>)
    %dma_start3A_61 = arith.constant 16 : i32
    %dma_start3A_62 = tpu.memref_slice %arg2[%dma_start3A_61, %mul3A_2] : memref<200x16384xi32, #tpu.memory_space<hbm>> -> memref<8x512xi32, #tpu.memory_space<hbm>>
    %dma_start3A_63 = arith.constant 16 : i32
    %dma_start3A_64 = tpu.memref_slice %arg2[%dma_start3A_63, %mul3A_2] : memref<200x16384xi32, #tpu.memory_space<hbm>> -> memref<8x512xi32, #tpu.memory_space<hbm>>
    tpu.enqueue_dma source(%dma_start3A_64 : memref<8x512xi32, #tpu.memory_space<hbm>>) target(%arg6 : memref<8x512xi32, #tpu.memory_space<vmem>>) target_semaphore(%arg12 : memref<!tpu.dma_semaphore, #tpu.memory_space<semaphore_mem>>)
    %dma_wait3A_65 = arith.constant 8 : i32
    %dma_wait3A_66 = tpu.memref_slice %arg2[%dma_wait3A_65, %mul3A_2] : memref<200x16384xi32, #tpu.memory_space<hbm>> -> memref<8x512xi32, #tpu.memory_space<hbm>>
    %dma_wait3A_67 = arith.constant 8 : i32
    %dma_wait3A_68 = tpu.memref_slice %arg2[%dma_wait3A_67, %mul3A_2] : memref<200x16384xi32, #tpu.memory_space<hbm>> -> memref<8x512xi32, #tpu.memory_space<hbm>>
    tpu.wait_dma2 semaphore(%arg13 : memref<!tpu.dma_semaphore, #tpu.memory_space<semaphore_mem>>) src(%dma_wait3A_68 : memref<8x512xi32, #tpu.memory_space<hbm>>) dst(%arg7 : memref<8x512xi32, #tpu.memory_space<vmem>>)
    %parallel_loop3A_69 = arith.constant 0 : i32
    %parallel_loop3A_70 = arith.constant 256 : i32
    %parallel_loop3A_71 = arith.constant 1 : i32
    scf.for %parallel_loop3A_118 = %parallel_loop3A_69 to %parallel_loop3A_70 step %parallel_loop3A_71  : i32 {
      %parallel_loop3A_119 = arith.constant 5 : i32
      %parallel_loop3A_120 = arith.shrsi %parallel_loop3A_118, %parallel_loop3A_119 : i32
      %parallel_loop3A_121 = arith.constant 31 : i32
      %parallel_loop3A_122 = arith.andi %parallel_loop3A_118, %parallel_loop3A_121 : i32
      %parallel_loop3A_123 = arith.constant 16 : i32
      %parallel_loop3A_124 = arith.muli %parallel_loop3A_122, %parallel_loop3A_123 : i32
      %parallel_loop3A_125 = arith.index_cast %parallel_loop3A_120 : i32 to index
      %parallel_loop3A_126 = arith.index_cast %parallel_loop3A_124 : i32 to index
      %parallel_loop3A_127 = tpu.vector_load %arg7[%parallel_loop3A_125, %parallel_loop3A_126] {strides = array<i32>} : memref<8x512xi32, #tpu.memory_space<vmem>>, vector<16xi32>,
      %parallel_loop3A_128 = arith.constant 4 : i32
      %parallel_loop3A_129 = vector.broadcast %parallel_loop3A_128 : i32 to vector<16xi32>
      %parallel_loop3A_130 = arith.shli %parallel_loop3A_127, %parallel_loop3A_129 : vector<16xi32>
      %parallel_loop3A_131 = arith.addi %parallel_loop3A_130, %iota3A : vector<16xi32>
      %parallel_loop3A_132 = arith.addi %broadcast_in_dim3A_24, %parallel_loop3A_131 : vector<16xi32>
      %parallel_loop3A_133 = tpu.vector_load_idx %arg5[%parallel_loop3A_132] : memref<16640xf32, #tpu.memory_space<vmem>>[vector<16xi32>], vector<16xf32>,
      %parallel_loop3A_134 = arith.addi %broadcast_in_dim3A_26, %parallel_loop3A_131 : vector<16xi32>
      %parallel_loop3A_135 = tpu.vector_load_idx %arg5[%parallel_loop3A_134] : memref<16640xf32, #tpu.memory_space<vmem>>[vector<16xi32>], vector<16xf32>,
      %parallel_loop3A_136 = arith.addi %broadcast_in_dim3A_28, %parallel_loop3A_131 : vector<16xi32>
      %parallel_loop3A_137 = tpu.vector_load_idx %arg5[%parallel_loop3A_136] : memref<16640xf32, #tpu.memory_space<vmem>>[vector<16xi32>], vector<16xf32>,
      %parallel_loop3A_138 = arith.addi %broadcast_in_dim3A_30, %parallel_loop3A_131 : vector<16xi32>
      %parallel_loop3A_139 = tpu.vector_load_idx %arg5[%parallel_loop3A_138] : memref<16640xf32, #tpu.memory_space<vmem>>[vector<16xi32>], vector<16xf32>,
      %parallel_loop3A_140 = arith.addi %broadcast_in_dim3A_32, %parallel_loop3A_131 : vector<16xi32>
      %parallel_loop3A_141 = tpu.vector_load_idx %arg5[%parallel_loop3A_140] : memref<16640xf32, #tpu.memory_space<vmem>>[vector<16xi32>], vector<16xf32>,
      %parallel_loop3A_142 = arith.addi %broadcast_in_dim3A_34, %parallel_loop3A_131 : vector<16xi32>
      %parallel_loop3A_143 = tpu.vector_load_idx %arg5[%parallel_loop3A_142] : memref<16640xf32, #tpu.memory_space<vmem>>[vector<16xi32>], vector<16xf32>,
      %parallel_loop3A_144 = arith.addi %broadcast_in_dim3A_36, %parallel_loop3A_131 : vector<16xi32>
      %parallel_loop3A_145 = tpu.vector_load_idx %arg5[%parallel_loop3A_144] : memref<16640xf32, #tpu.memory_space<vmem>>[vector<16xi32>], vector<16xf32>,
      %parallel_loop3A_146 = arith.addi %broadcast_in_dim3A_38, %parallel_loop3A_131 : vector<16xi32>
      %parallel_loop3A_147 = tpu.vector_load_idx %arg5[%parallel_loop3A_146] : memref<16640xf32, #tpu.memory_space<vmem>>[vector<16xi32>], vector<16xf32>,
      %parallel_loop3A_148 = arith.addi %broadcast_in_dim3A_40, %parallel_loop3A_131 : vector<16xi32>
      %parallel_loop3A_149 = tpu.vector_load_idx %arg5[%parallel_loop3A_148] : memref<16640xf32, #tpu.memory_space<vmem>>[vector<16xi32>], vector<16xf32>,
      %parallel_loop3A_150 = arith.addi %broadcast_in_dim3A_42, %parallel_loop3A_131 : vector<16xi32>
      %parallel_loop3A_151 = tpu.vector_load_idx %arg5[%parallel_loop3A_150] : memref<16640xf32, #tpu.memory_space<vmem>>[vector<16xi32>], vector<16xf32>,
      %parallel_loop3A_152 = arith.constant 16 : i32
      %parallel_loop3A_153 = arith.muli %parallel_loop3A_122, %parallel_loop3A_152 : i32
      %parallel_loop3A_154 = arith.constant 0 : i32
      %parallel_loop3A_155 = arith.index_cast %parallel_loop3A_154 : i32 to index
      %parallel_loop3A_156 = arith.index_cast %parallel_loop3A_120 : i32 to index
      %parallel_loop3A_157 = arith.index_cast %parallel_loop3A_153 : i32 to index
      %parallel_loop3A_158 = tpu.vector_load %arg9[%parallel_loop3A_155, %parallel_loop3A_156, %parallel_loop3A_157] {strides = array<i32>} : memref<10x8x512xf32, #tpu.memory_space<vmem>>, vector<16xf32>,
      tpu.vector_store %arg9[%parallel_loop3A_155, %parallel_loop3A_156, %parallel_loop3A_157], %parallel_loop3A_133 {strides = array<i32>} : memref<10x8x512xf32, #tpu.memory_space<vmem>>, vector<16xf32>,
      %parallel_loop3A_159 = arith.constant 16 : i32
      %parallel_loop3A_160 = arith.muli %parallel_loop3A_122, %parallel_loop3A_159 : i32
      %parallel_loop3A_161 = arith.constant 1 : i32
      %parallel_loop3A_162 = arith.index_cast %parallel_loop3A_161 : i32 to index
      %parallel_loop3A_163 = arith.index_cast %parallel_loop3A_120 : i32 to index
      %parallel_loop3A_164 = arith.index_cast %parallel_loop3A_160 : i32 to index
      %parallel_loop3A_165 = tpu.vector_load %arg9[%parallel_loop3A_162, %parallel_loop3A_163, %parallel_loop3A_164] {strides = array<i32>} : memref<10x8x512xf32, #tpu.memory_space<vmem>>, vector<16xf32>,
      tpu.vector_store %arg9[%parallel_loop3A_162, %parallel_loop3A_163, %parallel_loop3A_164], %parallel_loop3A_135 {strides = array<i32>} : memref<10x8x512xf32, #tpu.memory_space<vmem>>, vector<16xf32>,
      %parallel_loop3A_166 = arith.constant 16 : i32
      %parallel_loop3A_167 = arith.muli %parallel_loop3A_122, %parallel_loop3A_166 : i32
      %parallel_loop3A_168 = arith.constant 2 : i32
      %parallel_loop3A_169 = arith.index_cast %parallel_loop3A_168 : i32 to index
      %parallel_loop3A_170 = arith.index_cast %parallel_loop3A_120 : i32 to index
      %parallel_loop3A_171 = arith.index_cast %parallel_loop3A_167 : i32 to index
      %parallel_loop3A_172 = tpu.vector_load %arg9[%parallel_loop3A_169, %parallel_loop3A_170, %parallel_loop3A_171] {strides = array<i32>} : memref<10x8x512xf32, #tpu.memory_space<vmem>>, vector<16xf32>,
      tpu.vector_store %arg9[%parallel_loop3A_169, %parallel_loop3A_170, %parallel_loop3A_171], %parallel_loop3A_137 {strides = array<i32>} : memref<10x8x512xf32, #tpu.memory_space<vmem>>, vector<16xf32>,
      %parallel_loop3A_173 = arith.constant 16 : i32
      %parallel_loop3A_174 = arith.muli %parallel_loop3A_122, %parallel_loop3A_173 : i32
      %parallel_loop3A_175 = arith.constant 3 : i32
      %parallel_loop3A_176 = arith.index_cast %parallel_loop3A_175 : i32 to index
      %parallel_loop3A_177 = arith.index_cast %parallel_loop3A_120 : i32 to index
      %parallel_loop3A_178 = arith.index_cast %parallel_loop3A_174 : i32 to index
      %parallel_loop3A_179 = tpu.vector_load %arg9[%parallel_loop3A_176, %parallel_loop3A_177, %parallel_loop3A_178] {strides = array<i32>} : memref<10x8x512xf32, #tpu.memory_space<vmem>>, vector<16xf32>,
      tpu.vector_store %arg9[%parallel_loop3A_176, %parallel_loop3A_177, %parallel_loop3A_178], %parallel_loop3A_139 {strides = array<i32>} : memref<10x8x512xf32, #tpu.memory_space<vmem>>, vector<16xf32>,
      %parallel_loop3A_180 = arith.constant 16 : i32
      %parallel_loop3A_181 = arith.muli %parallel_loop3A_122, %parallel_loop3A_180 : i32
      %parallel_loop3A_182 = arith.constant 4 : i32
      %parallel_loop3A_183 = arith.index_cast %parallel_loop3A_182 : i32 to index
      %parallel_loop3A_184 = arith.index_cast %parallel_loop3A_120 : i32 to index
      %parallel_loop3A_185 = arith.index_cast %parallel_loop3A_181 : i32 to index
      %parallel_loop3A_186 = tpu.vector_load %arg9[%parallel_loop3A_183, %parallel_loop3A_184, %parallel_loop3A_185] {strides = array<i32>} : memref<10x8x512xf32, #tpu.memory_space<vmem>>, vector<16xf32>,
      tpu.vector_store %arg9[%parallel_loop3A_183, %parallel_loop3A_184, %parallel_loop3A_185], %parallel_loop3A_141 {strides = array<i32>} : memref<10x8x512xf32, #tpu.memory_space<vmem>>, vector<16xf32>,
      %parallel_loop3A_187 = arith.constant 16 : i32
      %parallel_loop3A_188 = arith.muli %parallel_loop3A_122, %parallel_loop3A_187 : i32
      %parallel_loop3A_189 = arith.constant 5 : i32
      %parallel_loop3A_190 = arith.index_cast %parallel_loop3A_189 : i32 to index
      %parallel_loop3A_191 = arith.index_cast %parallel_loop3A_120 : i32 to index
      %parallel_loop3A_192 = arith.index_cast %parallel_loop3A_188 : i32 to index
      %parallel_loop3A_193 = tpu.vector_load %arg9[%parallel_loop3A_190, %parallel_loop3A_191, %parallel_loop3A_192] {strides = array<i32>} : memref<10x8x512xf32, #tpu.memory_space<vmem>>, vector<16xf32>,
      tpu.vector_store %arg9[%parallel_loop3A_190, %parallel_loop3A_191, %parallel_loop3A_192], %parallel_loop3A_143 {strides = array<i32>} : memref<10x8x512xf32, #tpu.memory_space<vmem>>, vector<16xf32>,
      %parallel_loop3A_194 = arith.constant 16 : i32
      %parallel_loop3A_195 = arith.muli %parallel_loop3A_122, %parallel_loop3A_194 : i32
      %parallel_loop3A_196 = arith.constant 6 : i32
      %parallel_loop3A_197 = arith.index_cast %parallel_loop3A_196 : i32 to index
      %parallel_loop3A_198 = arith.index_cast %parallel_loop3A_120 : i32 to index
      %parallel_loop3A_199 = arith.index_cast %parallel_loop3A_195 : i32 to index
      %parallel_loop3A_200 = tpu.vector_load %arg9[%parallel_loop3A_197, %parallel_loop3A_198, %parallel_loop3A_199] {strides = array<i32>} : memref<10x8x512xf32, #tpu.memory_space<vmem>>, vector<16xf32>,
      tpu.vector_store %arg9[%parallel_loop3A_197, %parallel_loop3A_198, %parallel_loop3A_199], %parallel_loop3A_145 {strides = array<i32>} : memref<10x8x512xf32, #tpu.memory_space<vmem>>, vector<16xf32>,
      %parallel_loop3A_201 = arith.constant 16 : i32
      %parallel_loop3A_202 = arith.muli %parallel_loop3A_122, %parallel_loop3A_201 : i32
      %parallel_loop3A_203 = arith.constant 7 : i32
      %parallel_loop3A_204 = arith.index_cast %parallel_loop3A_203 : i32 to index
      %parallel_loop3A_205 = arith.index_cast %parallel_loop3A_120 : i32 to index
      %parallel_loop3A_206 = arith.index_cast %parallel_loop3A_202 : i32 to index
      %parallel_loop3A_207 = tpu.vector_load %arg9[%parallel_loop3A_204, %parallel_loop3A_205, %parallel_loop3A_206] {strides = array<i32>} : memref<10x8x512xf32, #tpu.memory_space<vmem>>, vector<16xf32>,
      tpu.vector_store %arg9[%parallel_loop3A_204, %parallel_loop3A_205, %parallel_loop3A_206], %parallel_loop3A_147 {strides = array<i32>} : memref<10x8x512xf32, #tpu.memory_space<vmem>>, vector<16xf32>,
      %parallel_loop3A_208 = arith.constant 16 : i32
      %parallel_loop3A_209 = arith.muli %parallel_loop3A_122, %parallel_loop3A_208 : i32
      %parallel_loop3A_210 = arith.constant 8 : i32
      %parallel_loop3A_211 = arith.index_cast %parallel_loop3A_210 : i32 to index
      %parallel_loop3A_212 = arith.index_cast %parallel_loop3A_120 : i32 to index
      %parallel_loop3A_213 = arith.index_cast %parallel_loop3A_209 : i32 to index
      %parallel_loop3A_214 = tpu.vector_load %arg9[%parallel_loop3A_211, %parallel_loop3A_212, %parallel_loop3A_213] {strides = array<i32>} : memref<10x8x512xf32, #tpu.memory_space<vmem>>, vector<16xf32>,
      tpu.vector_store %arg9[%parallel_loop3A_211, %parallel_loop3A_212, %parallel_loop3A_213], %parallel_loop3A_149 {strides = array<i32>} : memref<10x8x512xf32, #tpu.memory_space<vmem>>, vector<16xf32>,
      %parallel_loop3A_215 = arith.constant 16 : i32
      %parallel_loop3A_216 = arith.muli %parallel_loop3A_122, %parallel_loop3A_215 : i32
      %parallel_loop3A_217 = arith.constant 9 : i32
      %parallel_loop3A_218 = arith.index_cast %parallel_loop3A_217 : i32 to index
      %parallel_loop3A_219 = arith.index_cast %parallel_loop3A_120 : i32 to index
      %parallel_loop3A_220 = arith.index_cast %parallel_loop3A_216 : i32 to index
      %parallel_loop3A_221 = tpu.vector_load %arg9[%parallel_loop3A_218, %parallel_loop3A_219, %parallel_loop3A_220] {strides = array<i32>} : memref<10x8x512xf32, #tpu.memory_space<vmem>>, vector<16xf32>,
      tpu.vector_store %arg9[%parallel_loop3A_218, %parallel_loop3A_219, %parallel_loop3A_220], %parallel_loop3A_151 {strides = array<i32>} : memref<10x8x512xf32, #tpu.memory_space<vmem>>, vector<16xf32>,
    } {sc.loop_unroll_factor = 2 : i64, sc.parallel_access}
    %dma_start3A_72 = arith.constant 0 : i32
    %dma_start3A_73 = arith.constant 8 : i32
    %dma_start3A_74 = tpu.memref_slice %arg4[%dma_start3A_72, %dma_start3A_73, %mul3A_2] : memref<10x200x16384xf32, #tpu.memory_space<hbm>> -> memref<10x8x512xf32, #tpu.memory_space<hbm>>
    %dma_start3A_75 = arith.constant 0 : i32
    %dma_start3A_76 = arith.constant 8 : i32
    %dma_start3A_77 = tpu.memref_slice %arg4[%dma_start3A_75, %dma_start3A_76, %mul3A_2] : memref<10x200x16384xf32, #tpu.memory_space<hbm>> -> memref<10x8x512xf32, #tpu.memory_space<hbm>>
    tpu.enqueue_dma source(%arg9 : memref<10x8x512xf32, #tpu.memory_space<vmem>>) target(%dma_start3A_77 : memref<10x8x512xf32, #tpu.memory_space<hbm>>) target_semaphore(%arg11 : memref<!tpu.dma_semaphore, #tpu.memory_space<semaphore_mem>>)
    %dma_start3A_78 = arith.constant 24 : i32
    %dma_start3A_79 = tpu.memref_slice %arg2[%dma_start3A_78, %mul3A_2] : memref<200x16384xi32, #tpu.memory_space<hbm>> -> memref<8x512xi32, #tpu.memory_space<hbm>>
    %dma_start3A_80 = arith.constant 24 : i32
    %dma_start3A_81 = tpu.memref_slice %arg2[%dma_start3A_80, %mul3A_2] : memref<200x16384xi32, #tpu.memory_space<hbm>> -> memref<8x512xi32, #tpu.memory_space<hbm>>
    tpu.enqueue_dma source(%dma_start3A_81 : memref<8x512xi32, #tpu.memory_space<hbm>>) target(%arg7 : memref<8x512xi32, #tpu.memory_space<vmem>>) target_semaphore(%arg13 : memref<!tpu.dma_semaphore, #tpu.memory_space<semaphore_mem>>)
    %scan3A = arith.constant 0 : i32
    %scan3A_82 = arith.constant 0 : i32
    %scan3A_83 = arith.constant 11 : i32
    %scan3A_84 = arith.addi %scan3A_82, %scan3A_83 : i32
    %scan3A_85 = arith.constant 1 : i32
    scf.for %scan3A_118 = %scan3A_82 to %scan3A_84 step %scan3A_85  : i32 {
      %mul3A_119 = arith.constant 2 : i32
      %mul3A_120 = arith.muli %mul3A_119, %scan3A_118 : i32
      %add3A_121 = arith.constant 2 : i32
      %add3A_122 = arith.addi %add3A_121, %mul3A_120 : i32
      %mul3A_123 = arith.constant 8 : i32
      %mul3A_124 = arith.muli %add3A_122, %mul3A_123 : i32
      %dma_wait3A_125 = arith.constant 0 : i32
      %dma_wait3A_126 = tpu.memref_slice %arg4[%dma_wait3A_125, %mul3A_124, %mul3A_2] : memref<10x200x16384xf32, #tpu.memory_space<hbm>> -> memref<10x8x512xf32, #tpu.memory_space<hbm>>
      %dma_wait3A_127 = arith.constant 0 : i32
      %dma_wait3A_128 = tpu.memref_slice %arg4[%dma_wait3A_127, %mul3A_124, %mul3A_2] : memref<10x200x16384xf32, #tpu.memory_space<hbm>> -> memref<10x8x512xf32, #tpu.memory_space<hbm>>
      tpu.wait_dma2 semaphore(%arg10 : memref<!tpu.dma_semaphore, #tpu.memory_space<semaphore_mem>>) src(%arg8 : memref<10x8x512xf32, #tpu.memory_space<vmem>>) dst(%dma_wait3A_128 : memref<10x8x512xf32, #tpu.memory_space<hbm>>)
      %mul3A_129 = arith.constant 8 : i32
      %mul3A_130 = arith.muli %add3A_122, %mul3A_129 : i32
      %dma_wait3A_131 = tpu.memref_slice %arg2[%mul3A_130, %mul3A_2] : memref<200x16384xi32, #tpu.memory_space<hbm>> -> memref<8x512xi32, #tpu.memory_space<hbm>>
      %dma_wait3A_132 = tpu.memref_slice %arg2[%mul3A_130, %mul3A_2] : memref<200x16384xi32, #tpu.memory_space<hbm>> -> memref<8x512xi32, #tpu.memory_space<hbm>>
      tpu.wait_dma2 semaphore(%arg12 : memref<!tpu.dma_semaphore, #tpu.memory_space<semaphore_mem>>) src(%dma_wait3A_132 : memref<8x512xi32, #tpu.memory_space<hbm>>) dst(%arg6 : memref<8x512xi32, #tpu.memory_space<vmem>>)
      %parallel_loop3A_133 = arith.constant 0 : i32
      %parallel_loop3A_134 = arith.constant 256 : i32
      %parallel_loop3A_135 = arith.constant 1 : i32
      scf.for %parallel_loop3A_177 = %parallel_loop3A_133 to %parallel_loop3A_134 step %parallel_loop3A_135  : i32 {
        %parallel_loop3A_178 = arith.constant 5 : i32
        %parallel_loop3A_179 = arith.shrsi %parallel_loop3A_177, %parallel_loop3A_178 : i32
        %parallel_loop3A_180 = arith.constant 31 : i32
        %parallel_loop3A_181 = arith.andi %parallel_loop3A_177, %parallel_loop3A_180 : i32
        %parallel_loop3A_182 = arith.constant 16 : i32
        %parallel_loop3A_183 = arith.muli %parallel_loop3A_181, %parallel_loop3A_182 : i32
        %parallel_loop3A_184 = arith.index_cast %parallel_loop3A_179 : i32 to index
        %parallel_loop3A_185 = arith.index_cast %parallel_loop3A_183 : i32 to index
        %parallel_loop3A_186 = tpu.vector_load %arg6[%parallel_loop3A_184, %parallel_loop3A_185] {strides = array<i32>} : memref<8x512xi32, #tpu.memory_space<vmem>>, vector<16xi32>,
        %parallel_loop3A_187 = arith.constant 4 : i32
        %parallel_loop3A_188 = vector.broadcast %parallel_loop3A_187 : i32 to vector<16xi32>
        %parallel_loop3A_189 = arith.shli %parallel_loop3A_186, %parallel_loop3A_188 : vector<16xi32>
        %parallel_loop3A_190 = arith.addi %parallel_loop3A_189, %iota3A : vector<16xi32>
        %parallel_loop3A_191 = arith.addi %broadcast_in_dim3A_24, %parallel_loop3A_190 : vector<16xi32>
        %parallel_loop3A_192 = tpu.vector_load_idx %arg5[%parallel_loop3A_191] : memref<16640xf32, #tpu.memory_space<vmem>>[vector<16xi32>], vector<16xf32>,
        %parallel_loop3A_193 = arith.addi %broadcast_in_dim3A_26, %parallel_loop3A_190 : vector<16xi32>
        %parallel_loop3A_194 = tpu.vector_load_idx %arg5[%parallel_loop3A_193] : memref<16640xf32, #tpu.memory_space<vmem>>[vector<16xi32>], vector<16xf32>,
        %parallel_loop3A_195 = arith.addi %broadcast_in_dim3A_28, %parallel_loop3A_190 : vector<16xi32>
        %parallel_loop3A_196 = tpu.vector_load_idx %arg5[%parallel_loop3A_195] : memref<16640xf32, #tpu.memory_space<vmem>>[vector<16xi32>], vector<16xf32>,
        %parallel_loop3A_197 = arith.addi %broadcast_in_dim3A_30, %parallel_loop3A_190 : vector<16xi32>
        %parallel_loop3A_198 = tpu.vector_load_idx %arg5[%parallel_loop3A_197] : memref<16640xf32, #tpu.memory_space<vmem>>[vector<16xi32>], vector<16xf32>,
        %parallel_loop3A_199 = arith.addi %broadcast_in_dim3A_32, %parallel_loop3A_190 : vector<16xi32>
        %parallel_loop3A_200 = tpu.vector_load_idx %arg5[%parallel_loop3A_199] : memref<16640xf32, #tpu.memory_space<vmem>>[vector<16xi32>], vector<16xf32>,
        %parallel_loop3A_201 = arith.addi %broadcast_in_dim3A_34, %parallel_loop3A_190 : vector<16xi32>
        %parallel_loop3A_202 = tpu.vector_load_idx %arg5[%parallel_loop3A_201] : memref<16640xf32, #tpu.memory_space<vmem>>[vector<16xi32>], vector<16xf32>,
        %parallel_loop3A_203 = arith.addi %broadcast_in_dim3A_36, %parallel_loop3A_190 : vector<16xi32>
        %parallel_loop3A_204 = tpu.vector_load_idx %arg5[%parallel_loop3A_203] : memref<16640xf32, #tpu.memory_space<vmem>>[vector<16xi32>], vector<16xf32>,
        %parallel_loop3A_205 = arith.addi %broadcast_in_dim3A_38, %parallel_loop3A_190 : vector<16xi32>
        %parallel_loop3A_206 = tpu.vector_load_idx %arg5[%parallel_loop3A_205] : memref<16640xf32, #tpu.memory_space<vmem>>[vector<16xi32>], vector<16xf32>,
        %parallel_loop3A_207 = arith.addi %broadcast_in_dim3A_40, %parallel_loop3A_190 : vector<16xi32>
        %parallel_loop3A_208 = tpu.vector_load_idx %arg5[%parallel_loop3A_207] : memref<16640xf32, #tpu.memory_space<vmem>>[vector<16xi32>], vector<16xf32>,
        %parallel_loop3A_209 = arith.addi %broadcast_in_dim3A_42, %parallel_loop3A_190 : vector<16xi32>
        %parallel_loop3A_210 = tpu.vector_load_idx %arg5[%parallel_loop3A_209] : memref<16640xf32, #tpu.memory_space<vmem>>[vector<16xi32>], vector<16xf32>,
        %parallel_loop3A_211 = arith.constant 16 : i32
        %parallel_loop3A_212 = arith.muli %parallel_loop3A_181, %parallel_loop3A_211 : i32
        %parallel_loop3A_213 = arith.constant 0 : i32
        %parallel_loop3A_214 = arith.index_cast %parallel_loop3A_213 : i32 to index
        %parallel_loop3A_215 = arith.index_cast %parallel_loop3A_179 : i32 to index
        %parallel_loop3A_216 = arith.index_cast %parallel_loop3A_212 : i32 to index
        %parallel_loop3A_217 = tpu.vector_load %arg8[%parallel_loop3A_214, %parallel_loop3A_215, %parallel_loop3A_216] {strides = array<i32>} : memref<10x8x512xf32, #tpu.memory_space<vmem>>, vector<16xf32>,
        tpu.vector_store %arg8[%parallel_loop3A_214, %parallel_loop3A_215, %parallel_loop3A_216], %parallel_loop3A_192 {strides = array<i32>} : memref<10x8x512xf32, #tpu.memory_space<vmem>>, vector<16xf32>,
        %parallel_loop3A_218 = arith.constant 16 : i32
        %parallel_loop3A_219 = arith.muli %parallel_loop3A_181, %parallel_loop3A_218 : i32
        %parallel_loop3A_220 = arith.constant 1 : i32
        %parallel_loop3A_221 = arith.index_cast %parallel_loop3A_220 : i32 to index
        %parallel_loop3A_222 = arith.index_cast %parallel_loop3A_179 : i32 to index
        %parallel_loop3A_223 = arith.index_cast %parallel_loop3A_219 : i32 to index
        %parallel_loop3A_224 = tpu.vector_load %arg8[%parallel_loop3A_221, %parallel_loop3A_222, %parallel_loop3A_223] {strides = array<i32>} : memref<10x8x512xf32, #tpu.memory_space<vmem>>, vector<16xf32>,
        tpu.vector_store %arg8[%parallel_loop3A_221, %parallel_loop3A_222, %parallel_loop3A_223], %parallel_loop3A_194 {strides = array<i32>} : memref<10x8x512xf32, #tpu.memory_space<vmem>>, vector<16xf32>,
        %parallel_loop3A_225 = arith.constant 16 : i32
        %parallel_loop3A_226 = arith.muli %parallel_loop3A_181, %parallel_loop3A_225 : i32
        %parallel_loop3A_227 = arith.constant 2 : i32
        %parallel_loop3A_228 = arith.index_cast %parallel_loop3A_227 : i32 to index
        %parallel_loop3A_229 = arith.index_cast %parallel_loop3A_179 : i32 to index
        %parallel_loop3A_230 = arith.index_cast %parallel_loop3A_226 : i32 to index
        %parallel_loop3A_231 = tpu.vector_load %arg8[%parallel_loop3A_228, %parallel_loop3A_229, %parallel_loop3A_230] {strides = array<i32>} : memref<10x8x512xf32, #tpu.memory_space<vmem>>, vector<16xf32>,
        tpu.vector_store %arg8[%parallel_loop3A_228, %parallel_loop3A_229, %parallel_loop3A_230], %parallel_loop3A_196 {strides = array<i32>} : memref<10x8x512xf32, #tpu.memory_space<vmem>>, vector<16xf32>,
        %parallel_loop3A_232 = arith.constant 16 : i32
        %parallel_loop3A_233 = arith.muli %parallel_loop3A_181, %parallel_loop3A_232 : i32
        %parallel_loop3A_234 = arith.constant 3 : i32
        %parallel_loop3A_235 = arith.index_cast %parallel_loop3A_234 : i32 to index
        %parallel_loop3A_236 = arith.index_cast %parallel_loop3A_179 : i32 to index
        %parallel_loop3A_237 = arith.index_cast %parallel_loop3A_233 : i32 to index
        %parallel_loop3A_238 = tpu.vector_load %arg8[%parallel_loop3A_235, %parallel_loop3A_236, %parallel_loop3A_237] {strides = array<i32>} : memref<10x8x512xf32, #tpu.memory_space<vmem>>, vector<16xf32>,
        tpu.vector_store %arg8[%parallel_loop3A_235, %parallel_loop3A_236, %parallel_loop3A_237], %parallel_loop3A_198 {strides = array<i32>} : memref<10x8x512xf32, #tpu.memory_space<vmem>>, vector<16xf32>,
        %parallel_loop3A_239 = arith.constant 16 : i32
        %parallel_loop3A_240 = arith.muli %parallel_loop3A_181, %parallel_loop3A_239 : i32
        %parallel_loop3A_241 = arith.constant 4 : i32
        %parallel_loop3A_242 = arith.index_cast %parallel_loop3A_241 : i32 to index
        %parallel_loop3A_243 = arith.index_cast %parallel_loop3A_179 : i32 to index
        %parallel_loop3A_244 = arith.index_cast %parallel_loop3A_240 : i32 to index
        %parallel_loop3A_245 = tpu.vector_load %arg8[%parallel_loop3A_242, %parallel_loop3A_243, %parallel_loop3A_244] {strides = array<i32>} : memref<10x8x512xf32, #tpu.memory_space<vmem>>, vector<16xf32>,
        tpu.vector_store %arg8[%parallel_loop3A_242, %parallel_loop3A_243, %parallel_loop3A_244], %parallel_loop3A_200 {strides = array<i32>} : memref<10x8x512xf32, #tpu.memory_space<vmem>>, vector<16xf32>,
        %parallel_loop3A_246 = arith.constant 16 : i32
        %parallel_loop3A_247 = arith.muli %parallel_loop3A_181, %parallel_loop3A_246 : i32
        %parallel_loop3A_248 = arith.constant 5 : i32
        %parallel_loop3A_249 = arith.index_cast %parallel_loop3A_248 : i32 to index
        %parallel_loop3A_250 = arith.index_cast %parallel_loop3A_179 : i32 to index
        %parallel_loop3A_251 = arith.index_cast %parallel_loop3A_247 : i32 to index
        %parallel_loop3A_252 = tpu.vector_load %arg8[%parallel_loop3A_249, %parallel_loop3A_250, %parallel_loop3A_251] {strides = array<i32>} : memref<10x8x512xf32, #tpu.memory_space<vmem>>, vector<16xf32>,
        tpu.vector_store %arg8[%parallel_loop3A_249, %parallel_loop3A_250, %parallel_loop3A_251], %parallel_loop3A_202 {strides = array<i32>} : memref<10x8x512xf32, #tpu.memory_space<vmem>>, vector<16xf32>,
        %parallel_loop3A_253 = arith.constant 16 : i32
        %parallel_loop3A_254 = arith.muli %parallel_loop3A_181, %parallel_loop3A_253 : i32
        %parallel_loop3A_255 = arith.constant 6 : i32
        %parallel_loop3A_256 = arith.index_cast %parallel_loop3A_255 : i32 to index
        %parallel_loop3A_257 = arith.index_cast %parallel_loop3A_179 : i32 to index
        %parallel_loop3A_258 = arith.index_cast %parallel_loop3A_254 : i32 to index
        %parallel_loop3A_259 = tpu.vector_load %arg8[%parallel_loop3A_256, %parallel_loop3A_257, %parallel_loop3A_258] {strides = array<i32>} : memref<10x8x512xf32, #tpu.memory_space<vmem>>, vector<16xf32>,
        tpu.vector_store %arg8[%parallel_loop3A_256, %parallel_loop3A_257, %parallel_loop3A_258], %parallel_loop3A_204 {strides = array<i32>} : memref<10x8x512xf32, #tpu.memory_space<vmem>>, vector<16xf32>,
        %parallel_loop3A_260 = arith.constant 16 : i32
        %parallel_loop3A_261 = arith.muli %parallel_loop3A_181, %parallel_loop3A_260 : i32
        %parallel_loop3A_262 = arith.constant 7 : i32
        %parallel_loop3A_263 = arith.index_cast %parallel_loop3A_262 : i32 to index
        %parallel_loop3A_264 = arith.index_cast %parallel_loop3A_179 : i32 to index
        %parallel_loop3A_265 = arith.index_cast %parallel_loop3A_261 : i32 to index
        %parallel_loop3A_266 = tpu.vector_load %arg8[%parallel_loop3A_263, %parallel_loop3A_264, %parallel_loop3A_265] {strides = array<i32>} : memref<10x8x512xf32, #tpu.memory_space<vmem>>, vector<16xf32>,
        tpu.vector_store %arg8[%parallel_loop3A_263, %parallel_loop3A_264, %parallel_loop3A_265], %parallel_loop3A_206 {strides = array<i32>} : memref<10x8x512xf32, #tpu.memory_space<vmem>>, vector<16xf32>,
        %parallel_loop3A_267 = arith.constant 16 : i32
        %parallel_loop3A_268 = arith.muli %parallel_loop3A_181, %parallel_loop3A_267 : i32
        %parallel_loop3A_269 = arith.constant 8 : i32
        %parallel_loop3A_270 = arith.index_cast %parallel_loop3A_269 : i32 to index
        %parallel_loop3A_271 = arith.index_cast %parallel_loop3A_179 : i32 to index
        %parallel_loop3A_272 = arith.index_cast %parallel_loop3A_268 : i32 to index
        %parallel_loop3A_273 = tpu.vector_load %arg8[%parallel_loop3A_270, %parallel_loop3A_271, %parallel_loop3A_272] {strides = array<i32>} : memref<10x8x512xf32, #tpu.memory_space<vmem>>, vector<16xf32>,
        tpu.vector_store %arg8[%parallel_loop3A_270, %parallel_loop3A_271, %parallel_loop3A_272], %parallel_loop3A_208 {strides = array<i32>} : memref<10x8x512xf32, #tpu.memory_space<vmem>>, vector<16xf32>,
        %parallel_loop3A_274 = arith.constant 16 : i32
        %parallel_loop3A_275 = arith.muli %parallel_loop3A_181, %parallel_loop3A_274 : i32
        %parallel_loop3A_276 = arith.constant 9 : i32
        %parallel_loop3A_277 = arith.index_cast %parallel_loop3A_276 : i32 to index
        %parallel_loop3A_278 = arith.index_cast %parallel_loop3A_179 : i32 to index
        %parallel_loop3A_279 = arith.index_cast %parallel_loop3A_275 : i32 to index
        %parallel_loop3A_280 = tpu.vector_load %arg8[%parallel_loop3A_277, %parallel_loop3A_278, %parallel_loop3A_279] {strides = array<i32>} : memref<10x8x512xf32, #tpu.memory_space<vmem>>, vector<16xf32>,
        tpu.vector_store %arg8[%parallel_loop3A_277, %parallel_loop3A_278, %parallel_loop3A_279], %parallel_loop3A_210 {strides = array<i32>} : memref<10x8x512xf32, #tpu.memory_space<vmem>>, vector<16xf32>,
      } {sc.loop_unroll_factor = 2 : i64, sc.parallel_access}
      %mul3A_136 = arith.constant 8 : i32
      %mul3A_137 = arith.muli %add3A_122, %mul3A_136 : i32
      %dma_start3A_138 = arith.constant 0 : i32
      %dma_start3A_139 = tpu.memref_slice %arg4[%dma_start3A_138, %mul3A_137, %mul3A_2] : memref<10x200x16384xf32, #tpu.memory_space<hbm>> -> memref<10x8x512xf32, #tpu.memory_space<hbm>>
      %dma_start3A_140 = arith.constant 0 : i32
      %dma_start3A_141 = tpu.memref_slice %arg4[%dma_start3A_140, %mul3A_137, %mul3A_2] : memref<10x200x16384xf32, #tpu.memory_space<hbm>> -> memref<10x8x512xf32, #tpu.memory_space<hbm>>
      tpu.enqueue_dma source(%arg8 : memref<10x8x512xf32, #tpu.memory_space<vmem>>) target(%dma_start3A_141 : memref<10x8x512xf32, #tpu.memory_space<hbm>>) target_semaphore(%arg10 : memref<!tpu.dma_semaphore, #tpu.memory_space<semaphore_mem>>)
      %add3A_142 = arith.constant 2 : i32
      %add3A_143 = arith.addi %add3A_122, %add3A_142 : i32
      %mul3A_144 = arith.constant 8 : i32
      %mul3A_145 = arith.muli %add3A_143, %mul3A_144 : i32
      %dma_start3A_146 = tpu.memref_slice %arg2[%mul3A_145, %mul3A_2] : memref<200x16384xi32, #tpu.memory_space<hbm>> -> memref<8x512xi32, #tpu.memory_space<hbm>>
      %dma_start3A_147 = tpu.memref_slice %arg2[%mul3A_145, %mul3A_2] : memref<200x16384xi32, #tpu.memory_space<hbm>> -> memref<8x512xi32, #tpu.memory_space<hbm>>
      tpu.enqueue_dma source(%dma_start3A_147 : memref<8x512xi32, #tpu.memory_space<hbm>>) target(%arg6 : memref<8x512xi32, #tpu.memory_space<vmem>>) target_semaphore(%arg12 : memref<!tpu.dma_semaphore, #tpu.memory_space<semaphore_mem>>)
      %add3A_148 = arith.constant 1 : i32
      %add3A_149 = arith.addi %add3A_122, %add3A_148 : i32
      %mul3A_150 = arith.constant 8 : i32
      %mul3A_151 = arith.muli %add3A_149, %mul3A_150 : i32
      %dma_wait3A_152 = arith.constant 0 : i32
      %dma_wait3A_153 = tpu.memref_slice %arg4[%dma_wait3A_152, %mul3A_151, %mul3A_2] : memref<10x200x16384xf32, #tpu.memory_space<hbm>> -> memref<10x8x512xf32, #tpu.memory_space<hbm>>
      %dma_wait3A_154 = arith.constant 0 : i32
      %dma_wait3A_155 = tpu.memref_slice %arg4[%dma_wait3A_154, %mul3A_151, %mul3A_2] : memref<10x200x16384xf32, #tpu.memory_space<hbm>> -> memref<10x8x512xf32, #tpu.memory_space<hbm>>
      tpu.wait_dma2 semaphore(%arg11 : memref<!tpu.dma_semaphore, #tpu.memory_space<semaphore_mem>>) src(%arg9 : memref<10x8x512xf32, #tpu.memory_space<vmem>>) dst(%dma_wait3A_155 : memref<10x8x512xf32, #tpu.memory_space<hbm>>)
      %add3A_156 = arith.constant 1 : i32
      %add3A_157 = arith.addi %add3A_122, %add3A_156 : i32
      %mul3A_158 = arith.constant 8 : i32
      %mul3A_159 = arith.muli %add3A_157, %mul3A_158 : i32
      %dma_wait3A_160 = tpu.memref_slice %arg2[%mul3A_159, %mul3A_2] : memref<200x16384xi32, #tpu.memory_space<hbm>> -> memref<8x512xi32, #tpu.memory_space<hbm>>
      %dma_wait3A_161 = tpu.memref_slice %arg2[%mul3A_159, %mul3A_2] : memref<200x16384xi32, #tpu.memory_space<hbm>> -> memref<8x512xi32, #tpu.memory_space<hbm>>
      tpu.wait_dma2 semaphore(%arg13 : memref<!tpu.dma_semaphore, #tpu.memory_space<semaphore_mem>>) src(%dma_wait3A_161 : memref<8x512xi32, #tpu.memory_space<hbm>>) dst(%arg7 : memref<8x512xi32, #tpu.memory_space<vmem>>)
      %parallel_loop3A_162 = arith.constant 0 : i32
      %parallel_loop3A_163 = arith.constant 256 : i32
      %parallel_loop3A_164 = arith.constant 1 : i32
      scf.for %parallel_loop3A_177 = %parallel_loop3A_162 to %parallel_loop3A_163 step %parallel_loop3A_164  : i32 {
        %parallel_loop3A_178 = arith.constant 5 : i32
        %parallel_loop3A_179 = arith.shrsi %parallel_loop3A_177, %parallel_loop3A_178 : i32
        %parallel_loop3A_180 = arith.constant 31 : i32
        %parallel_loop3A_181 = arith.andi %parallel_loop3A_177, %parallel_loop3A_180 : i32
        %parallel_loop3A_182 = arith.constant 16 : i32
        %parallel_loop3A_183 = arith.muli %parallel_loop3A_181, %parallel_loop3A_182 : i32
        %parallel_loop3A_184 = arith.index_cast %parallel_loop3A_179 : i32 to index
        %parallel_loop3A_185 = arith.index_cast %parallel_loop3A_183 : i32 to index
        %parallel_loop3A_186 = tpu.vector_load %arg7[%parallel_loop3A_184, %parallel_loop3A_185] {strides = array<i32>} : memref<8x512xi32, #tpu.memory_space<vmem>>, vector<16xi32>,
        %parallel_loop3A_187 = arith.constant 4 : i32
        %parallel_loop3A_188 = vector.broadcast %parallel_loop3A_187 : i32 to vector<16xi32>
        %parallel_loop3A_189 = arith.shli %parallel_loop3A_186, %parallel_loop3A_188 : vector<16xi32>
        %parallel_loop3A_190 = arith.addi %parallel_loop3A_189, %iota3A : vector<16xi32>
        %parallel_loop3A_191 = arith.addi %broadcast_in_dim3A_24, %parallel_loop3A_190 : vector<16xi32>
        %parallel_loop3A_192 = tpu.vector_load_idx %arg5[%parallel_loop3A_191] : memref<16640xf32, #tpu.memory_space<vmem>>[vector<16xi32>], vector<16xf32>,
        %parallel_loop3A_193 = arith.addi %broadcast_in_dim3A_26, %parallel_loop3A_190 : vector<16xi32>
        %parallel_loop3A_194 = tpu.vector_load_idx %arg5[%parallel_loop3A_193] : memref<16640xf32, #tpu.memory_space<vmem>>[vector<16xi32>], vector<16xf32>,
        %parallel_loop3A_195 = arith.addi %broadcast_in_dim3A_28, %parallel_loop3A_190 : vector<16xi32>
        %parallel_loop3A_196 = tpu.vector_load_idx %arg5[%parallel_loop3A_195] : memref<16640xf32, #tpu.memory_space<vmem>>[vector<16xi32>], vector<16xf32>,
        %parallel_loop3A_197 = arith.addi %broadcast_in_dim3A_30, %parallel_loop3A_190 : vector<16xi32>
        %parallel_loop3A_198 = tpu.vector_load_idx %arg5[%parallel_loop3A_197] : memref<16640xf32, #tpu.memory_space<vmem>>[vector<16xi32>], vector<16xf32>,
        %parallel_loop3A_199 = arith.addi %broadcast_in_dim3A_32, %parallel_loop3A_190 : vector<16xi32>
        %parallel_loop3A_200 = tpu.vector_load_idx %arg5[%parallel_loop3A_199] : memref<16640xf32, #tpu.memory_space<vmem>>[vector<16xi32>], vector<16xf32>,
        %parallel_loop3A_201 = arith.addi %broadcast_in_dim3A_34, %parallel_loop3A_190 : vector<16xi32>
        %parallel_loop3A_202 = tpu.vector_load_idx %arg5[%parallel_loop3A_201] : memref<16640xf32, #tpu.memory_space<vmem>>[vector<16xi32>], vector<16xf32>,
        %parallel_loop3A_203 = arith.addi %broadcast_in_dim3A_36, %parallel_loop3A_190 : vector<16xi32>
        %parallel_loop3A_204 = tpu.vector_load_idx %arg5[%parallel_loop3A_203] : memref<16640xf32, #tpu.memory_space<vmem>>[vector<16xi32>], vector<16xf32>,
        %parallel_loop3A_205 = arith.addi %broadcast_in_dim3A_38, %parallel_loop3A_190 : vector<16xi32>
        %parallel_loop3A_206 = tpu.vector_load_idx %arg5[%parallel_loop3A_205] : memref<16640xf32, #tpu.memory_space<vmem>>[vector<16xi32>], vector<16xf32>,
        %parallel_loop3A_207 = arith.addi %broadcast_in_dim3A_40, %parallel_loop3A_190 : vector<16xi32>
        %parallel_loop3A_208 = tpu.vector_load_idx %arg5[%parallel_loop3A_207] : memref<16640xf32, #tpu.memory_space<vmem>>[vector<16xi32>], vector<16xf32>,
        %parallel_loop3A_209 = arith.addi %broadcast_in_dim3A_42, %parallel_loop3A_190 : vector<16xi32>
        %parallel_loop3A_210 = tpu.vector_load_idx %arg5[%parallel_loop3A_209] : memref<16640xf32, #tpu.memory_space<vmem>>[vector<16xi32>], vector<16xf32>,
        %parallel_loop3A_211 = arith.constant 16 : i32
        %parallel_loop3A_212 = arith.muli %parallel_loop3A_181, %parallel_loop3A_211 : i32
        %parallel_loop3A_213 = arith.constant 0 : i32
        %parallel_loop3A_214 = arith.index_cast %parallel_loop3A_213 : i32 to index
        %parallel_loop3A_215 = arith.index_cast %parallel_loop3A_179 : i32 to index
        %parallel_loop3A_216 = arith.index_cast %parallel_loop3A_212 : i32 to index
        %parallel_loop3A_217 = tpu.vector_load %arg9[%parallel_loop3A_214, %parallel_loop3A_215, %parallel_loop3A_216] {strides = array<i32>} : memref<10x8x512xf32, #tpu.memory_space<vmem>>, vector<16xf32>,
        tpu.vector_store %arg9[%parallel_loop3A_214, %parallel_loop3A_215, %parallel_loop3A_216], %parallel_loop3A_192 {strides = array<i32>} : memref<10x8x512xf32, #tpu.memory_space<vmem>>, vector<16xf32>,
        %parallel_loop3A_218 = arith.constant 16 : i32
        %parallel_loop3A_219 = arith.muli %parallel_loop3A_181, %parallel_loop3A_218 : i32
        %parallel_loop3A_220 = arith.constant 1 : i32
        %parallel_loop3A_221 = arith.index_cast %parallel_loop3A_220 : i32 to index
        %parallel_loop3A_222 = arith.index_cast %parallel_loop3A_179 : i32 to index
        %parallel_loop3A_223 = arith.index_cast %parallel_loop3A_219 : i32 to index
        %parallel_loop3A_224 = tpu.vector_load %arg9[%parallel_loop3A_221, %parallel_loop3A_222, %parallel_loop3A_223] {strides = array<i32>} : memref<10x8x512xf32, #tpu.memory_space<vmem>>, vector<16xf32>,
        tpu.vector_store %arg9[%parallel_loop3A_221, %parallel_loop3A_222, %parallel_loop3A_223], %parallel_loop3A_194 {strides = array<i32>} : memref<10x8x512xf32, #tpu.memory_space<vmem>>, vector<16xf32>,
        %parallel_loop3A_225 = arith.constant 16 : i32
        %parallel_loop3A_226 = arith.muli %parallel_loop3A_181, %parallel_loop3A_225 : i32
        %parallel_loop3A_227 = arith.constant 2 : i32
        %parallel_loop3A_228 = arith.index_cast %parallel_loop3A_227 : i32 to index
        %parallel_loop3A_229 = arith.index_cast %parallel_loop3A_179 : i32 to index
        %parallel_loop3A_230 = arith.index_cast %parallel_loop3A_226 : i32 to index
        %parallel_loop3A_231 = tpu.vector_load %arg9[%parallel_loop3A_228, %parallel_loop3A_229, %parallel_loop3A_230] {strides = array<i32>} : memref<10x8x512xf32, #tpu.memory_space<vmem>>, vector<16xf32>,
        tpu.vector_store %arg9[%parallel_loop3A_228, %parallel_loop3A_229, %parallel_loop3A_230], %parallel_loop3A_196 {strides = array<i32>} : memref<10x8x512xf32, #tpu.memory_space<vmem>>, vector<16xf32>,
        %parallel_loop3A_232 = arith.constant 16 : i32
        %parallel_loop3A_233 = arith.muli %parallel_loop3A_181, %parallel_loop3A_232 : i32
        %parallel_loop3A_234 = arith.constant 3 : i32
        %parallel_loop3A_235 = arith.index_cast %parallel_loop3A_234 : i32 to index
        %parallel_loop3A_236 = arith.index_cast %parallel_loop3A_179 : i32 to index
        %parallel_loop3A_237 = arith.index_cast %parallel_loop3A_233 : i32 to index
        %parallel_loop3A_238 = tpu.vector_load %arg9[%parallel_loop3A_235, %parallel_loop3A_236, %parallel_loop3A_237] {strides = array<i32>} : memref<10x8x512xf32, #tpu.memory_space<vmem>>, vector<16xf32>,
        tpu.vector_store %arg9[%parallel_loop3A_235, %parallel_loop3A_236, %parallel_loop3A_237], %parallel_loop3A_198 {strides = array<i32>} : memref<10x8x512xf32, #tpu.memory_space<vmem>>, vector<16xf32>,
        %parallel_loop3A_239 = arith.constant 16 : i32
        %parallel_loop3A_240 = arith.muli %parallel_loop3A_181, %parallel_loop3A_239 : i32
        %parallel_loop3A_241 = arith.constant 4 : i32
        %parallel_loop3A_242 = arith.index_cast %parallel_loop3A_241 : i32 to index
        %parallel_loop3A_243 = arith.index_cast %parallel_loop3A_179 : i32 to index
        %parallel_loop3A_244 = arith.index_cast %parallel_loop3A_240 : i32 to index
        %parallel_loop3A_245 = tpu.vector_load %arg9[%parallel_loop3A_242, %parallel_loop3A_243, %parallel_loop3A_244] {strides = array<i32>} : memref<10x8x512xf32, #tpu.memory_space<vmem>>, vector<16xf32>,
        tpu.vector_store %arg9[%parallel_loop3A_242, %parallel_loop3A_243, %parallel_loop3A_244], %parallel_loop3A_200 {strides = array<i32>} : memref<10x8x512xf32, #tpu.memory_space<vmem>>, vector<16xf32>,
        %parallel_loop3A_246 = arith.constant 16 : i32
        %parallel_loop3A_247 = arith.muli %parallel_loop3A_181, %parallel_loop3A_246 : i32
        %parallel_loop3A_248 = arith.constant 5 : i32
        %parallel_loop3A_249 = arith.index_cast %parallel_loop3A_248 : i32 to index
        %parallel_loop3A_250 = arith.index_cast %parallel_loop3A_179 : i32 to index
        %parallel_loop3A_251 = arith.index_cast %parallel_loop3A_247 : i32 to index
        %parallel_loop3A_252 = tpu.vector_load %arg9[%parallel_loop3A_249, %parallel_loop3A_250, %parallel_loop3A_251] {strides = array<i32>} : memref<10x8x512xf32, #tpu.memory_space<vmem>>, vector<16xf32>,
        tpu.vector_store %arg9[%parallel_loop3A_249, %parallel_loop3A_250, %parallel_loop3A_251], %parallel_loop3A_202 {strides = array<i32>} : memref<10x8x512xf32, #tpu.memory_space<vmem>>, vector<16xf32>,
        %parallel_loop3A_253 = arith.constant 16 : i32
        %parallel_loop3A_254 = arith.muli %parallel_loop3A_181, %parallel_loop3A_253 : i32
        %parallel_loop3A_255 = arith.constant 6 : i32
        %parallel_loop3A_256 = arith.index_cast %parallel_loop3A_255 : i32 to index
        %parallel_loop3A_257 = arith.index_cast %parallel_loop3A_179 : i32 to index
        %parallel_loop3A_258 = arith.index_cast %parallel_loop3A_254 : i32 to index
        %parallel_loop3A_259 = tpu.vector_load %arg9[%parallel_loop3A_256, %parallel_loop3A_257, %parallel_loop3A_258] {strides = array<i32>} : memref<10x8x512xf32, #tpu.memory_space<vmem>>, vector<16xf32>,
        tpu.vector_store %arg9[%parallel_loop3A_256, %parallel_loop3A_257, %parallel_loop3A_258], %parallel_loop3A_204 {strides = array<i32>} : memref<10x8x512xf32, #tpu.memory_space<vmem>>, vector<16xf32>,
        %parallel_loop3A_260 = arith.constant 16 : i32
        %parallel_loop3A_261 = arith.muli %parallel_loop3A_181, %parallel_loop3A_260 : i32
        %parallel_loop3A_262 = arith.constant 7 : i32
        %parallel_loop3A_263 = arith.index_cast %parallel_loop3A_262 : i32 to index
        %parallel_loop3A_264 = arith.index_cast %parallel_loop3A_179 : i32 to index
        %parallel_loop3A_265 = arith.index_cast %parallel_loop3A_261 : i32 to index
        %parallel_loop3A_266 = tpu.vector_load %arg9[%parallel_loop3A_263, %parallel_loop3A_264, %parallel_loop3A_265] {strides = array<i32>} : memref<10x8x512xf32, #tpu.memory_space<vmem>>, vector<16xf32>,
        tpu.vector_store %arg9[%parallel_loop3A_263, %parallel_loop3A_264, %parallel_loop3A_265], %parallel_loop3A_206 {strides = array<i32>} : memref<10x8x512xf32, #tpu.memory_space<vmem>>, vector<16xf32>,
        %parallel_loop3A_267 = arith.constant 16 : i32
        %parallel_loop3A_268 = arith.muli %parallel_loop3A_181, %parallel_loop3A_267 : i32
        %parallel_loop3A_269 = arith.constant 8 : i32
        %parallel_loop3A_270 = arith.index_cast %parallel_loop3A_269 : i32 to index
        %parallel_loop3A_271 = arith.index_cast %parallel_loop3A_179 : i32 to index
        %parallel_loop3A_272 = arith.index_cast %parallel_loop3A_268 : i32 to index
        %parallel_loop3A_273 = tpu.vector_load %arg9[%parallel_loop3A_270, %parallel_loop3A_271, %parallel_loop3A_272] {strides = array<i32>} : memref<10x8x512xf32, #tpu.memory_space<vmem>>, vector<16xf32>,
        tpu.vector_store %arg9[%parallel_loop3A_270, %parallel_loop3A_271, %parallel_loop3A_272], %parallel_loop3A_208 {strides = array<i32>} : memref<10x8x512xf32, #tpu.memory_space<vmem>>, vector<16xf32>,
        %parallel_loop3A_274 = arith.constant 16 : i32
        %parallel_loop3A_275 = arith.muli %parallel_loop3A_181, %parallel_loop3A_274 : i32
        %parallel_loop3A_276 = arith.constant 9 : i32
        %parallel_loop3A_277 = arith.index_cast %parallel_loop3A_276 : i32 to index
        %parallel_loop3A_278 = arith.index_cast %parallel_loop3A_179 : i32 to index
        %parallel_loop3A_279 = arith.index_cast %parallel_loop3A_275 : i32 to index
        %parallel_loop3A_280 = tpu.vector_load %arg9[%parallel_loop3A_277, %parallel_loop3A_278, %parallel_loop3A_279] {strides = array<i32>} : memref<10x8x512xf32, #tpu.memory_space<vmem>>, vector<16xf32>,
        tpu.vector_store %arg9[%parallel_loop3A_277, %parallel_loop3A_278, %parallel_loop3A_279], %parallel_loop3A_210 {strides = array<i32>} : memref<10x8x512xf32, #tpu.memory_space<vmem>>, vector<16xf32>,
      } {sc.loop_unroll_factor = 2 : i64, sc.parallel_access}
      %add3A_165 = arith.constant 1 : i32
      %add3A_166 = arith.addi %add3A_122, %add3A_165 : i32
      %mul3A_167 = arith.constant 8 : i32
      %mul3A_168 = arith.muli %add3A_166, %mul3A_167 : i32
      %dma_start3A_169 = arith.constant 0 : i32
      %dma_start3A_170 = tpu.memref_slice %arg4[%dma_start3A_169, %mul3A_168, %mul3A_2] : memref<10x200x16384xf32, #tpu.memory_space<hbm>> -> memref<10x8x512xf32, #tpu.memory_space<hbm>>
      %dma_start3A_171 = arith.constant 0 : i32
      %dma_start3A_172 = tpu.memref_slice %arg4[%dma_start3A_171, %mul3A_168, %mul3A_2] : memref<10x200x16384xf32, #tpu.memory_space<hbm>> -> memref<10x8x512xf32, #tpu.memory_space<hbm>>
      tpu.enqueue_dma source(%arg9 : memref<10x8x512xf32, #tpu.memory_space<vmem>>) target(%dma_start3A_172 : memref<10x8x512xf32, #tpu.memory_space<hbm>>) target_semaphore(%arg11 : memref<!tpu.dma_semaphore, #tpu.memory_space<semaphore_mem>>)
      %add3A_173 = arith.constant 3 : i32
      %add3A_174 = arith.addi %add3A_122, %add3A_173 : i32
      %lt3A = arith.constant 25 : i32
      %lt3A_175 = arith.cmpi slt, %add3A_174, %lt3A : i32
      %convert_element_type3A = arith.extui %lt3A_175 : i1 to i32
      %cond3A = arith.constant 0 : i32
      %cond3A_176 = arith.cmpi ne, %convert_element_type3A, %cond3A : i32
      scf.if %cond3A_176 {
        %add3A_177 = arith.constant 3 : i32
        %add3A_178 = arith.addi %add3A_122, %add3A_177 : i32
        %mul3A_179 = arith.constant 8 : i32
        %mul3A_180 = arith.muli %add3A_178, %mul3A_179 : i32
        %dma_start3A_181 = tpu.memref_slice %arg2[%mul3A_180, %mul3A_2] : memref<200x16384xi32, #tpu.memory_space<hbm>> -> memref<8x512xi32, #tpu.memory_space<hbm>>
        %dma_start3A_182 = tpu.memref_slice %arg2[%mul3A_180, %mul3A_2] : memref<200x16384xi32, #tpu.memory_space<hbm>> -> memref<8x512xi32, #tpu.memory_space<hbm>>
        tpu.enqueue_dma source(%dma_start3A_182 : memref<8x512xi32, #tpu.memory_space<hbm>>) target(%arg7 : memref<8x512xi32, #tpu.memory_space<vmem>>) target_semaphore(%arg13 : memref<!tpu.dma_semaphore, #tpu.memory_space<semaphore_mem>>)
      } else {
      }
    }
    %scan3A_86 = arith.constant 11 : i32
    %dma_wait3A_87 = arith.constant 0 : i32
    %dma_wait3A_88 = arith.constant 192 : i32
    %dma_wait3A_89 = tpu.memref_slice %arg4[%dma_wait3A_87, %dma_wait3A_88, %mul3A_2] : memref<10x200x16384xf32, #tpu.memory_space<hbm>> -> memref<10x8x512xf32, #tpu.memory_space<hbm>>
    %dma_wait3A_90 = arith.constant 0 : i32
    %dma_wait3A_91 = arith.constant 192 : i32
    %dma_wait3A_92 = tpu.memref_slice %arg4[%dma_wait3A_90, %dma_wait3A_91, %mul3A_2] : memref<10x200x16384xf32, #tpu.memory_space<hbm>> -> memref<10x8x512xf32, #tpu.memory_space<hbm>>
    tpu.wait_dma2 semaphore(%arg10 : memref<!tpu.dma_semaphore, #tpu.memory_space<semaphore_mem>>) src(%arg8 : memref<10x8x512xf32, #tpu.memory_space<vmem>>) dst(%dma_wait3A_92 : memref<10x8x512xf32, #tpu.memory_space<hbm>>)
    %dma_wait3A_93 = arith.constant 192 : i32
    %dma_wait3A_94 = tpu.memref_slice %arg2[%dma_wait3A_93, %mul3A_2] : memref<200x16384xi32, #tpu.memory_space<hbm>> -> memref<8x512xi32, #tpu.memory_space<hbm>>
    %dma_wait3A_95 = arith.constant 192 : i32
    %dma_wait3A_96 = tpu.memref_slice %arg2[%dma_wait3A_95, %mul3A_2] : memref<200x16384xi32, #tpu.memory_space<hbm>> -> memref<8x512xi32, #tpu.memory_space<hbm>>
    tpu.wait_dma2 semaphore(%arg12 : memref<!tpu.dma_semaphore, #tpu.memory_space<semaphore_mem>>) src(%dma_wait3A_96 : memref<8x512xi32, #tpu.memory_space<hbm>>) dst(%arg6 : memref<8x512xi32, #tpu.memory_space<vmem>>)
    %parallel_loop3A_97 = arith.constant 0 : i32
    %parallel_loop3A_98 = arith.constant 256 : i32
    %parallel_loop3A_99 = arith.constant 1 : i32
    scf.for %parallel_loop3A_118 = %parallel_loop3A_97 to %parallel_loop3A_98 step %parallel_loop3A_99  : i32 {
      %parallel_loop3A_119 = arith.constant 5 : i32
      %parallel_loop3A_120 = arith.shrsi %parallel_loop3A_118, %parallel_loop3A_119 : i32
      %parallel_loop3A_121 = arith.constant 31 : i32
      %parallel_loop3A_122 = arith.andi %parallel_loop3A_118, %parallel_loop3A_121 : i32
      %parallel_loop3A_123 = arith.constant 16 : i32
      %parallel_loop3A_124 = arith.muli %parallel_loop3A_122, %parallel_loop3A_123 : i32
      %parallel_loop3A_125 = arith.index_cast %parallel_loop3A_120 : i32 to index
      %parallel_loop3A_126 = arith.index_cast %parallel_loop3A_124 : i32 to index
      %parallel_loop3A_127 = tpu.vector_load %arg6[%parallel_loop3A_125, %parallel_loop3A_126] {strides = array<i32>} : memref<8x512xi32, #tpu.memory_space<vmem>>, vector<16xi32>,
      %parallel_loop3A_128 = arith.constant 4 : i32
      %parallel_loop3A_129 = vector.broadcast %parallel_loop3A_128 : i32 to vector<16xi32>
      %parallel_loop3A_130 = arith.shli %parallel_loop3A_127, %parallel_loop3A_129 : vector<16xi32>
      %parallel_loop3A_131 = arith.addi %parallel_loop3A_130, %iota3A : vector<16xi32>
      %parallel_loop3A_132 = arith.addi %broadcast_in_dim3A_24, %parallel_loop3A_131 : vector<16xi32>
      %parallel_loop3A_133 = tpu.vector_load_idx %arg5[%parallel_loop3A_132] : memref<16640xf32, #tpu.memory_space<vmem>>[vector<16xi32>], vector<16xf32>,
      %parallel_loop3A_134 = arith.addi %broadcast_in_dim3A_26, %parallel_loop3A_131 : vector<16xi32>
      %parallel_loop3A_135 = tpu.vector_load_idx %arg5[%parallel_loop3A_134] : memref<16640xf32, #tpu.memory_space<vmem>>[vector<16xi32>], vector<16xf32>,
      %parallel_loop3A_136 = arith.addi %broadcast_in_dim3A_28, %parallel_loop3A_131 : vector<16xi32>
      %parallel_loop3A_137 = tpu.vector_load_idx %arg5[%parallel_loop3A_136] : memref<16640xf32, #tpu.memory_space<vmem>>[vector<16xi32>], vector<16xf32>,
      %parallel_loop3A_138 = arith.addi %broadcast_in_dim3A_30, %parallel_loop3A_131 : vector<16xi32>
      %parallel_loop3A_139 = tpu.vector_load_idx %arg5[%parallel_loop3A_138] : memref<16640xf32, #tpu.memory_space<vmem>>[vector<16xi32>], vector<16xf32>,
      %parallel_loop3A_140 = arith.addi %broadcast_in_dim3A_32, %parallel_loop3A_131 : vector<16xi32>
      %parallel_loop3A_141 = tpu.vector_load_idx %arg5[%parallel_loop3A_140] : memref<16640xf32, #tpu.memory_space<vmem>>[vector<16xi32>], vector<16xf32>,
      %parallel_loop3A_142 = arith.addi %broadcast_in_dim3A_34, %parallel_loop3A_131 : vector<16xi32>
      %parallel_loop3A_143 = tpu.vector_load_idx %arg5[%parallel_loop3A_142] : memref<16640xf32, #tpu.memory_space<vmem>>[vector<16xi32>], vector<16xf32>,
      %parallel_loop3A_144 = arith.addi %broadcast_in_dim3A_36, %parallel_loop3A_131 : vector<16xi32>
      %parallel_loop3A_145 = tpu.vector_load_idx %arg5[%parallel_loop3A_144] : memref<16640xf32, #tpu.memory_space<vmem>>[vector<16xi32>], vector<16xf32>,
      %parallel_loop3A_146 = arith.addi %broadcast_in_dim3A_38, %parallel_loop3A_131 : vector<16xi32>
      %parallel_loop3A_147 = tpu.vector_load_idx %arg5[%parallel_loop3A_146] : memref<16640xf32, #tpu.memory_space<vmem>>[vector<16xi32>], vector<16xf32>,
      %parallel_loop3A_148 = arith.addi %broadcast_in_dim3A_40, %parallel_loop3A_131 : vector<16xi32>
      %parallel_loop3A_149 = tpu.vector_load_idx %arg5[%parallel_loop3A_148] : memref<16640xf32, #tpu.memory_space<vmem>>[vector<16xi32>], vector<16xf32>,
      %parallel_loop3A_150 = arith.addi %broadcast_in_dim3A_42, %parallel_loop3A_131 : vector<16xi32>
      %parallel_loop3A_151 = tpu.vector_load_idx %arg5[%parallel_loop3A_150] : memref<16640xf32, #tpu.memory_space<vmem>>[vector<16xi32>], vector<16xf32>,
      %parallel_loop3A_152 = arith.constant 16 : i32
      %parallel_loop3A_153 = arith.muli %parallel_loop3A_122, %parallel_loop3A_152 : i32
      %parallel_loop3A_154 = arith.constant 0 : i32
      %parallel_loop3A_155 = arith.index_cast %parallel_loop3A_154 : i32 to index
      %parallel_loop3A_156 = arith.index_cast %parallel_loop3A_120 : i32 to index
      %parallel_loop3A_157 = arith.index_cast %parallel_loop3A_153 : i32 to index
      %parallel_loop3A_158 = tpu.vector_load %arg8[%parallel_loop3A_155, %parallel_loop3A_156, %parallel_loop3A_157] {strides = array<i32>} : memref<10x8x512xf32, #tpu.memory_space<vmem>>, vector<16xf32>,
      tpu.vector_store %arg8[%parallel_loop3A_155, %parallel_loop3A_156, %parallel_loop3A_157], %parallel_loop3A_133 {strides = array<i32>} : memref<10x8x512xf32, #tpu.memory_space<vmem>>, vector<16xf32>,
      %parallel_loop3A_159 = arith.constant 16 : i32
      %parallel_loop3A_160 = arith.muli %parallel_loop3A_122, %parallel_loop3A_159 : i32
      %parallel_loop3A_161 = arith.constant 1 : i32
      %parallel_loop3A_162 = arith.index_cast %parallel_loop3A_161 : i32 to index
      %parallel_loop3A_163 = arith.index_cast %parallel_loop3A_120 : i32 to index
      %parallel_loop3A_164 = arith.index_cast %parallel_loop3A_160 : i32 to index
      %parallel_loop3A_165 = tpu.vector_load %arg8[%parallel_loop3A_162, %parallel_loop3A_163, %parallel_loop3A_164] {strides = array<i32>} : memref<10x8x512xf32, #tpu.memory_space<vmem>>, vector<16xf32>,
      tpu.vector_store %arg8[%parallel_loop3A_162, %parallel_loop3A_163, %parallel_loop3A_164], %parallel_loop3A_135 {strides = array<i32>} : memref<10x8x512xf32, #tpu.memory_space<vmem>>, vector<16xf32>,
      %parallel_loop3A_166 = arith.constant 16 : i32
      %parallel_loop3A_167 = arith.muli %parallel_loop3A_122, %parallel_loop3A_166 : i32
      %parallel_loop3A_168 = arith.constant 2 : i32
      %parallel_loop3A_169 = arith.index_cast %parallel_loop3A_168 : i32 to index
      %parallel_loop3A_170 = arith.index_cast %parallel_loop3A_120 : i32 to index
      %parallel_loop3A_171 = arith.index_cast %parallel_loop3A_167 : i32 to index
      %parallel_loop3A_172 = tpu.vector_load %arg8[%parallel_loop3A_169, %parallel_loop3A_170, %parallel_loop3A_171] {strides = array<i32>} : memref<10x8x512xf32, #tpu.memory_space<vmem>>, vector<16xf32>,
      tpu.vector_store %arg8[%parallel_loop3A_169, %parallel_loop3A_170, %parallel_loop3A_171], %parallel_loop3A_137 {strides = array<i32>} : memref<10x8x512xf32, #tpu.memory_space<vmem>>, vector<16xf32>,
      %parallel_loop3A_173 = arith.constant 16 : i32
      %parallel_loop3A_174 = arith.muli %parallel_loop3A_122, %parallel_loop3A_173 : i32
      %parallel_loop3A_175 = arith.constant 3 : i32
      %parallel_loop3A_176 = arith.index_cast %parallel_loop3A_175 : i32 to index
      %parallel_loop3A_177 = arith.index_cast %parallel_loop3A_120 : i32 to index
      %parallel_loop3A_178 = arith.index_cast %parallel_loop3A_174 : i32 to index
      %parallel_loop3A_179 = tpu.vector_load %arg8[%parallel_loop3A_176, %parallel_loop3A_177, %parallel_loop3A_178] {strides = array<i32>} : memref<10x8x512xf32, #tpu.memory_space<vmem>>, vector<16xf32>,
      tpu.vector_store %arg8[%parallel_loop3A_176, %parallel_loop3A_177, %parallel_loop3A_178], %parallel_loop3A_139 {strides = array<i32>} : memref<10x8x512xf32, #tpu.memory_space<vmem>>, vector<16xf32>,
      %parallel_loop3A_180 = arith.constant 16 : i32
      %parallel_loop3A_181 = arith.muli %parallel_loop3A_122, %parallel_loop3A_180 : i32
      %parallel_loop3A_182 = arith.constant 4 : i32
      %parallel_loop3A_183 = arith.index_cast %parallel_loop3A_182 : i32 to index
      %parallel_loop3A_184 = arith.index_cast %parallel_loop3A_120 : i32 to index
      %parallel_loop3A_185 = arith.index_cast %parallel_loop3A_181 : i32 to index
      %parallel_loop3A_186 = tpu.vector_load %arg8[%parallel_loop3A_183, %parallel_loop3A_184, %parallel_loop3A_185] {strides = array<i32>} : memref<10x8x512xf32, #tpu.memory_space<vmem>>, vector<16xf32>,
      tpu.vector_store %arg8[%parallel_loop3A_183, %parallel_loop3A_184, %parallel_loop3A_185], %parallel_loop3A_141 {strides = array<i32>} : memref<10x8x512xf32, #tpu.memory_space<vmem>>, vector<16xf32>,
      %parallel_loop3A_187 = arith.constant 16 : i32
      %parallel_loop3A_188 = arith.muli %parallel_loop3A_122, %parallel_loop3A_187 : i32
      %parallel_loop3A_189 = arith.constant 5 : i32
      %parallel_loop3A_190 = arith.index_cast %parallel_loop3A_189 : i32 to index
      %parallel_loop3A_191 = arith.index_cast %parallel_loop3A_120 : i32 to index
      %parallel_loop3A_192 = arith.index_cast %parallel_loop3A_188 : i32 to index
      %parallel_loop3A_193 = tpu.vector_load %arg8[%parallel_loop3A_190, %parallel_loop3A_191, %parallel_loop3A_192] {strides = array<i32>} : memref<10x8x512xf32, #tpu.memory_space<vmem>>, vector<16xf32>,
      tpu.vector_store %arg8[%parallel_loop3A_190, %parallel_loop3A_191, %parallel_loop3A_192], %parallel_loop3A_143 {strides = array<i32>} : memref<10x8x512xf32, #tpu.memory_space<vmem>>, vector<16xf32>,
      %parallel_loop3A_194 = arith.constant 16 : i32
      %parallel_loop3A_195 = arith.muli %parallel_loop3A_122, %parallel_loop3A_194 : i32
      %parallel_loop3A_196 = arith.constant 6 : i32
      %parallel_loop3A_197 = arith.index_cast %parallel_loop3A_196 : i32 to index
      %parallel_loop3A_198 = arith.index_cast %parallel_loop3A_120 : i32 to index
      %parallel_loop3A_199 = arith.index_cast %parallel_loop3A_195 : i32 to index
      %parallel_loop3A_200 = tpu.vector_load %arg8[%parallel_loop3A_197, %parallel_loop3A_198, %parallel_loop3A_199] {strides = array<i32>} : memref<10x8x512xf32, #tpu.memory_space<vmem>>, vector<16xf32>,
      tpu.vector_store %arg8[%parallel_loop3A_197, %parallel_loop3A_198, %parallel_loop3A_199], %parallel_loop3A_145 {strides = array<i32>} : memref<10x8x512xf32, #tpu.memory_space<vmem>>, vector<16xf32>,
      %parallel_loop3A_201 = arith.constant 16 : i32
      %parallel_loop3A_202 = arith.muli %parallel_loop3A_122, %parallel_loop3A_201 : i32
      %parallel_loop3A_203 = arith.constant 7 : i32
      %parallel_loop3A_204 = arith.index_cast %parallel_loop3A_203 : i32 to index
      %parallel_loop3A_205 = arith.index_cast %parallel_loop3A_120 : i32 to index
      %parallel_loop3A_206 = arith.index_cast %parallel_loop3A_202 : i32 to index
      %parallel_loop3A_207 = tpu.vector_load %arg8[%parallel_loop3A_204, %parallel_loop3A_205, %parallel_loop3A_206] {strides = array<i32>} : memref<10x8x512xf32, #tpu.memory_space<vmem>>, vector<16xf32>,
      tpu.vector_store %arg8[%parallel_loop3A_204, %parallel_loop3A_205, %parallel_loop3A_206], %parallel_loop3A_147 {strides = array<i32>} : memref<10x8x512xf32, #tpu.memory_space<vmem>>, vector<16xf32>,
      %parallel_loop3A_208 = arith.constant 16 : i32
      %parallel_loop3A_209 = arith.muli %parallel_loop3A_122, %parallel_loop3A_208 : i32
      %parallel_loop3A_210 = arith.constant 8 : i32
      %parallel_loop3A_211 = arith.index_cast %parallel_loop3A_210 : i32 to index
      %parallel_loop3A_212 = arith.index_cast %parallel_loop3A_120 : i32 to index
      %parallel_loop3A_213 = arith.index_cast %parallel_loop3A_209 : i32 to index
      %parallel_loop3A_214 = tpu.vector_load %arg8[%parallel_loop3A_211, %parallel_loop3A_212, %parallel_loop3A_213] {strides = array<i32>} : memref<10x8x512xf32, #tpu.memory_space<vmem>>, vector<16xf32>,
      tpu.vector_store %arg8[%parallel_loop3A_211, %parallel_loop3A_212, %parallel_loop3A_213], %parallel_loop3A_149 {strides = array<i32>} : memref<10x8x512xf32, #tpu.memory_space<vmem>>, vector<16xf32>,
      %parallel_loop3A_215 = arith.constant 16 : i32
      %parallel_loop3A_216 = arith.muli %parallel_loop3A_122, %parallel_loop3A_215 : i32
      %parallel_loop3A_217 = arith.constant 9 : i32
      %parallel_loop3A_218 = arith.index_cast %parallel_loop3A_217 : i32 to index
      %parallel_loop3A_219 = arith.index_cast %parallel_loop3A_120 : i32 to index
      %parallel_loop3A_220 = arith.index_cast %parallel_loop3A_216 : i32 to index
      %parallel_loop3A_221 = tpu.vector_load %arg8[%parallel_loop3A_218, %parallel_loop3A_219, %parallel_loop3A_220] {strides = array<i32>} : memref<10x8x512xf32, #tpu.memory_space<vmem>>, vector<16xf32>,
      tpu.vector_store %arg8[%parallel_loop3A_218, %parallel_loop3A_219, %parallel_loop3A_220], %parallel_loop3A_151 {strides = array<i32>} : memref<10x8x512xf32, #tpu.memory_space<vmem>>, vector<16xf32>,
    } {sc.loop_unroll_factor = 2 : i64, sc.parallel_access}
    %dma_start3A_100 = arith.constant 0 : i32
    %dma_start3A_101 = arith.constant 192 : i32
    %dma_start3A_102 = tpu.memref_slice %arg4[%dma_start3A_100, %dma_start3A_101, %mul3A_2] : memref<10x200x16384xf32, #tpu.memory_space<hbm>> -> memref<10x8x512xf32, #tpu.memory_space<hbm>>
    %dma_start3A_103 = arith.constant 0 : i32
    %dma_start3A_104 = arith.constant 192 : i32
    %dma_start3A_105 = tpu.memref_slice %arg4[%dma_start3A_103, %dma_start3A_104, %mul3A_2] : memref<10x200x16384xf32, #tpu.memory_space<hbm>> -> memref<10x8x512xf32, #tpu.memory_space<hbm>>
    tpu.enqueue_dma source(%arg8 : memref<10x8x512xf32, #tpu.memory_space<vmem>>) target(%dma_start3A_105 : memref<10x8x512xf32, #tpu.memory_space<hbm>>) target_semaphore(%arg10 : memref<!tpu.dma_semaphore, #tpu.memory_space<semaphore_mem>>)
    %dma_wait3A_106 = arith.constant 0 : i32
    %dma_wait3A_107 = arith.constant 192 : i32
    %dma_wait3A_108 = tpu.memref_slice %arg4[%dma_wait3A_106, %dma_wait3A_107, %mul3A_2] : memref<10x200x16384xf32, #tpu.memory_space<hbm>> -> memref<10x8x512xf32, #tpu.memory_space<hbm>>
    %dma_wait3A_109 = arith.constant 0 : i32
    %dma_wait3A_110 = arith.constant 192 : i32
    %dma_wait3A_111 = tpu.memref_slice %arg4[%dma_wait3A_109, %dma_wait3A_110, %mul3A_2] : memref<10x200x16384xf32, #tpu.memory_space<hbm>> -> memref<10x8x512xf32, #tpu.memory_space<hbm>>
    tpu.wait_dma2 semaphore(%arg10 : memref<!tpu.dma_semaphore, #tpu.memory_space<semaphore_mem>>) src(%arg8 : memref<10x8x512xf32, #tpu.memory_space<vmem>>) dst(%dma_wait3A_111 : memref<10x8x512xf32, #tpu.memory_space<hbm>>)
    %dma_wait3A_112 = arith.constant 0 : i32
    %dma_wait3A_113 = arith.constant 184 : i32
    %dma_wait3A_114 = tpu.memref_slice %arg4[%dma_wait3A_112, %dma_wait3A_113, %mul3A_2] : memref<10x200x16384xf32, #tpu.memory_space<hbm>> -> memref<10x8x512xf32, #tpu.memory_space<hbm>>
    %dma_wait3A_115 = arith.constant 0 : i32
    %dma_wait3A_116 = arith.constant 184 : i32
    %dma_wait3A_117 = tpu.memref_slice %arg4[%dma_wait3A_115, %dma_wait3A_116, %mul3A_2] : memref<10x200x16384xf32, #tpu.memory_space<hbm>> -> memref<10x8x512xf32, #tpu.memory_space<hbm>>
    tpu.wait_dma2 semaphore(%arg11 : memref<!tpu.dma_semaphore, #tpu.memory_space<semaphore_mem>>) src(%arg9 : memref<10x8x512xf32, #tpu.memory_space<vmem>>) dst(%dma_wait3A_117 : memref<10x8x512xf32, #tpu.memory_space<hbm>>)
    return
  }
}

</mosaic_0001>

<sc_bundles>
// kernel: kernel.3.cloned.1.call-start
scs
__scs_entry_jumppad:
0x0: {  	(pc) =	sbr.rel $0x88, $3  }
0x1: {  	(tag) =	ssettag $0x0;
	lr =	simm.s32 $0x1  }
0x2: {  	[smem:$0x3F9F] =	sst lr;
	_ =	strace $0xD0000000  }
0x3: {  	_ = 	snop  }
0x4: {  	_ = 	snop  }
0x5: {  	_ = 	snop  }
0x6: {  	_ = 	snop  }
0x7: {  	_ = 	snop  }
__scs_overlays_trampoline_lowered:
0x8: {  	[smem:$0x3FAE] =	sst s0  }
0x9: {  	[smem:$0x3FAF] =	sst s1  }
0xa: {  	[smem:$0x3FB0] =	sst s2  }
0xb: {  	[smem:$0x3FB1] =	sst s3  }
0xc: {  	[smem:$0x3FB2] =	sst s4  }
0xd: {  	[smem:$0x3FB3] =	sst s5  }
0xe: {  	[smem:$0x3FB4] =	sst s6  }
0xf: {  	[smem:$0x3FB5] =	sst s7  }
0x10: {  	[smem:$0x3FB6] =	sst s8  }
0x11: {  	[smem:$0x3FB7] =	sst s9;
	s0 =	simm.s32 @!p0 $0x0  }
0x12: {  	s1 =	sld [smem:$0x3F9D];
	s0 =	simm.s32 @p0 $0x1  }
0x13: {  	[smem:$0x3FB8] =	sst s0;
	s0 =	simm.s32 @!p1 $0x0  }
0x14: {  	s2 =	sld [smem:$0x3F9C];
	s0 =	simm.s32 @p1 $0x1  }
0x15: {  	[smem:$0x3FB9] =	sst s0;
	s0 =	simm.s32 @!p2 $0x0  }
0x16: {  	s3 =	sld [smem:$0x3FDB];
	s0 =	simm.s32 @p2 $0x1  }
0x17: {  	s4 =	simm.s32 $0x1BF5;
	[smem:$0x3FBB] =	sst s0  }
0x18: {  	s0 =	sld [smem:$0x3F9E];
	_ =	swait.ge [sflag:s4], $0x0  }
0x19: {  	s7 =	sld [smem:$0x3F9F]  }
0x1a: {  	s8 =	sadd.s32 $0xFFFFE003, lr  }
0x1b: {  	s9 =	sadd.s32 $0xFFFFFEF7, lr;
	s5 =	simm.s32 $0xFFFFFFFF;
	p2 =	slt.u32 s8, $0xFFFFF086  }
0x1c: {  	p1 =	slt.u32 s9, $0xF7A;
	s5 =	simm.s32 @!p2 $0x0  }
0x1d: {  	s5 =	simm.s32 @p1 $0x1;
	p0 =	seq.s32 s7, s2  }
0x1e: {  	s7 =	smul.u32 @!p0 $0xF7A, s2;
	p2 =	seq.s32 @!p0 s5, $0x0  }
0x1f: {  	s9 =	smul.u32 $0xF7A, s1;
	s8 =	simm.s32 @!p0 $0x1BF5;
	p2 =	por !p2, p0  }
0x20: {  	[sflag:s8] =	ssyncset.s32 @!p0 $0xFFFFF086;
	s6 =	sadd.s32 @!p0 s3, s7;
	s7 =	simm.s32 @!p0 $0x108  }
0x21: {  	s3 =	sadd.s32 s3, s9;
	s6 =	sadd.s32 @!p0 $0x88, s6;
	s7 =	simm.s32 @p2 $0x1082  }
0x22: {  	[simem:s7], [sflag:s8] =	dma.local @!p0 [hbm:s6], $0xF7A  }
0x23: {  	s9 =	sor.u32 $0xD0000000, s2;
	s6 =	simm.s32 $0x108;
	_ =	swait.ge @!p0 [sflag:s8], $0x0  }
0x24: {  	s3 =	sadd.s32 $0x88, s3;
	s6 =	simm.s32 @!p1 $0x1082;
	[sflag:s4] =	ssyncset.s32 $0xFFFFF086  }
0x25: {  	[simem:s6], [sflag:s4] =	dma.local [hbm:s3], $0xF7A  }
0x26: {  	[smem:$0x3F9F] =	sst s1;
	(tag) =	ssettag s2;
	_ =	strace s9  }
0x27: {  	s1 =	sld [smem:$0x3FAF]  }
0x28: {  	s2 =	sld [smem:$0x3FB0]  }
0x29: {  	s4 =	sld [smem:$0x3FB2]  }
0x2a: {  	p0 =	seq.s32 s5, $0x0;
	s5 =	sld [smem:$0x3FB3]  }
0x2b: {  	s6 =	sld [smem:$0x3FB4]  }
0x2c: {  	s7 =	sld [smem:$0x3FB5]  }
0x2d: {  	s3 =	simm.s32 $0x108;
	s8 =	sld [smem:$0x3FB6]  }
0x2e: {  	s3 =	simm.s32 @!p0 $0x1082;
	s9 =	sld [smem:$0x3FB7]  }
0x2f: {  	lr =	sadd.s32 s0, s3;
	s0 =	sld [smem:$0x3FAE]  }
0x30: {  	s3 =	sld [smem:$0x3FB1]  }
0x31: {  	[smem:$0x3FBA] =	sst s10  }
0x32: {  	s10 =	sld [smem:$0x3FB8];
	_ =	sdelay $0x3  }
0x33: {  	p0 =	seq.s32 s10, $0x1;
	s10 =	sld [smem:$0x3FBA];
	_ =	sdelay $0x3  }
0x34: {  	[smem:$0x3FBA] =	sst s10  }
0x35: {  	s10 =	sld [smem:$0x3FB9];
	_ =	sdelay $0x3  }
0x36: {  	p1 =	seq.s32 s10, $0x1;
	s10 =	sld [smem:$0x3FBA];
	_ =	sdelay $0x3  }
0x37: {  	[smem:$0x3FBA] =	sst s10  }
0x38: {  	s10 =	sld [smem:$0x3FBB]  }
0x39: {  	_ = 	snop;
	(pc) =	sbr.ind lr, $3  }
0x3a: {  	_ = 	snop  }
0x3b: {  	_ = 	snop  }
0x3c: {  	p2 =	seq.s32 s10, $0x1;
	s10 =	sld [smem:$0x3FBA]  }
0x3d: {  	_ =	shalt  }
0x3e: {  	_ =	shalt  }
0x3f: {  	_ =	shalt  }
0x40: {  	_ =	shalt  }
0x41: {  	_ =	shalt  }
0x42: {  	_ =	shalt  }
0x43: {  	_ =	shalt  }
0x44: {  	_ =	shalt  }
0x45: {  	_ =	shalt  }
0x46: {  	_ =	shalt  }
0x47: {  	_ =	shalt  }
0x48: {  	_ =	shalt  }
0x49: {  	_ =	shalt  }
0x4a: {  	_ =	shalt  }
0x4b: {  	_ =	shalt  }
0x4c: {  	_ =	shalt  }
0x4d: {  	_ =	shalt  }
0x4e: {  	_ =	shalt  }
0x4f: {  	_ =	shalt  }
0x50: {  	_ =	shalt  }
0x51: {  	_ =	shalt  }
0x52: {  	_ =	shalt  }
0x53: {  	_ =	shalt  }
0x54: {  	_ =	shalt  }
0x55: {  	_ =	shalt  }
0x56: {  	_ =	shalt  }
0x57: {  	_ =	shalt  }
0x58: {  	_ =	shalt  }
0x59: {  	_ =	shalt  }
0x5a: {  	_ =	shalt  }
0x5b: {  	_ =	shalt  }
0x5c: {  	_ =	shalt  }
0x5d: {  	_ =	shalt  }
0x5e: {  	_ =	shalt  }
0x5f: {  	_ =	shalt  }
0x60: {  	_ =	shalt  }
0x61: {  	_ =	shalt  }
0x62: {  	_ =	shalt  }
0x63: {  	_ =	shalt  }
0x64: {  	_ =	shalt  }
0x65: {  	_ =	shalt  }
0x66: {  	_ =	shalt  }
0x67: {  	_ =	shalt  }
0x68: {  	_ =	shalt  }
0x69: {  	_ =	shalt  }
0x6a: {  	_ =	shalt  }
0x6b: {  	_ =	shalt  }
0x6c: {  	_ =	shalt  }
0x6d: {  	_ =	shalt  }
0x6e: {  	_ =	shalt  }
0x6f: {  	_ =	shalt  }
0x70: {  	_ =	shalt  }
0x71: {  	_ =	shalt  }
0x72: {  	_ =	shalt  }
0x73: {  	_ =	shalt  }
0x74: {  	_ =	shalt  }
0x75: {  	_ =	shalt  }
0x76: {  	_ =	shalt  }
0x77: {  	_ =	shalt  }
0x78: {  	_ =	shalt  }
0x79: {  	_ =	shalt  }
0x7a: {  	_ =	shalt  }
0x7b: {  	_ =	shalt  }
0x7c: {  	_ =	shalt  }
0x7d: {  	_ =	shalt  }
0x7e: {  	_ =	shalt  }
0x7f: {  	_ =	shalt  }
0x80: {  	_ =	shalt  }
0x81: {  	_ =	shalt  }
0x82: {  	_ =	shalt  }
0x83: {  	_ =	shalt  }
0x84: {  	_ =	shalt  }
0x85: {  	_ =	shalt  }
0x86: {  	_ =	shalt  }
0x87: {  	_ =	shalt  }
.Lfunc_end0:
.L_simem_size_0:
called_computation_lowered:
.L_overlay_start_0:
0x88: {  	s2 =	sld [smem:$0x3FD9]  }
0x89: {  	s3 =	sld [smem:$0x3FFE];
	_ =	sdelay $0x1  }
0x8a: {  	s1 =	srdreg.scid  }
0x8b: {  	s0 =	sand.u32 $0x1, s1  }
0x8c: {  	s17 =	sshll.u32 s0, $0xA;
	s2 =	sadd.s32 s3, s2  }
0x8d: {  	s2 =	sadd.s32 s2, s17  }
0x8e: {  	[smem:$0x3FC6] =	sst s2  }
0x8f: {  	_ = 	snop  }
0x90: {  	s2 =	sld [smem:$0x3FC9]  }
0x91: {  	s18 =	sld [smem:$0x3FD0];
	(tm) =	ssettm $0x1  }
0x92: {  	s4 =	sld [smem:$0x3FFB];
	_ =	sdelay $0x3  }
0x93: {  	_ =	strace s4  }
0x94: {  	s4 =	sld [smem:$0x3FFC];
	_ =	sdelay $0x3  }
0x95: {  	_ =	strace s4  }
0x96: {  	s4 =	sld [smem:$0x3FFD];
	_ =	sdelay $0x3  }
0x97: {  	_ =	strace s4  }
0x98: {  	_ =	strace $0x8FFFFFFF  }
0x99: {  	s19 =	sld [smem:$0x3FDB];
	_ =	sdelay $0x1  }
0x9a: {  	s5 =	simm.s32 $_scs_section_size  }
0x9b: {  	s6 =	simm.s32 $_size__tile_overlayer_lowered;
	s7 =	simm.s32 $_tile_overlayer_lowered  }
0x9c: {  	s22 =	simm.s32 $0x1BFF;
	s21 =	sshll.u32 s7, $0x1;
	s4 =	sadd.s32 s5, s19  }
0x9d: {  	s8 =	simm.s32 $0x0;
	s20 =	sshll.u32 s6, $0x1;
	s6 =	sadd.s32 s21, s4  }
0x9e: {  	[timem:s8], [sflag:s22] =	dma.local [hbm:s6], s20  }
0x9f: {  	_ =	swait.ge [sflag:s22], s20  }
0xa0: {  	s5 =	ssub.s32 $0x0, s20;
	[sflag:s22] =	ssyncset.done $0x0  }
0xa1: {  	[sflag:s22] =	ssyncadd.s32 s5;
	_ =	sdelay $0x1  }
0xa2: {  	s23 =	simm.s32 $0x1B8B  }
0xa3: {  	_ =	swait.ge [sflag:s23], $0x1  }
0xa4: {  	[sflag:s23] =	ssyncset.done $0x0  }
0xa5: {  	s25 =	simm.s32 $0x1B8E;
	s24 =	sld [smem:$0x3FFE];
	[sflag:s23] =	ssyncadd.s32 $0xFFFFFFFF  }
0xa6: {  	s26 =	simm.s32 $execute0_lowered;
	[smem:$0x3FD2] =	sst s25  }
0xa7: {  	s6 =	sshll.u32 s26, $0x1;
	_ =	strace $0x80000046;
	[dreg:$0x1] =	wrdreg $0xFFFFFFFF  }
0xa8: {  	s28 =	simm.s32 $_size_execute0_lowered;
	s4 =	sadd.s32 s4, s6;
	[dreg:$0x0] =	wrdreg $0x0  }
0xa9: {  	s6 =	sshll.u32 s28, $0x1;
	[dreg:$0x2] =	wrdreg s4  }
0xaa: {  	[dreg:$0x3] =	wrdreg s6  }
0xab: {  	[dreg:$0x4] =	wrdreg $0xC0  }
0xac: {  	_ =	task [dreg:s8], $0x5FFFF  }
0xad: {  	[dreg:$0x1] =	wrdreg $0xFFFFFFFF  }
0xae: {  	[dreg:$0x0] =	wrdreg $0x60  }
0xaf: {  	[dreg:$0x2] =	wrdreg s2  }
0xb0: {  	[dreg:$0x3] =	wrdreg s24  }
0xb1: {  	[dreg:$0x4] =	wrdreg s18  }
0xb2: {  	[dreg:$0x5] =	wrdreg $0x9  }
0xb3: {  	_ =	task.clear_ibuf [dreg:s8], $0x6FFFF;
	_ =	strace $0x90000046  }
0xb4: {  	s29 =	simm.s32 $0x9;
	_ =	strace $0x80000048  }
0xb5: {  	_ =	swait.ge [sflag:s29], $0x1  }
0xb6: {  	[sflag:s29] =	ssyncadd.s32 $0xFFFFFFFF  }
0xb7: {  	_ =	strace $0x90000048  }
0xb8: {  	_ =	sfence  }
0xb9: {  	s30 =	sld [smem:$0x0];
	_ =	sdelay $0x2  }
0xba: {  	s31 =	sshll.u32 s1, $0xD;
	s1 =	sshrl.u32 s1, $0x2  }
0xbb: {  	s3 =	sand.u32 $0x4000, s31;
	s1 =	sadd.s32 s1, s30  }
0xbc: {  	s0 =	sor.u32 s3, s0;
	s1 =	sshll.u32 s1, $0x11  }
0xbd: {  	s0 =	sor.u32 s1, s0  }
0xbe: {  	s0 =	sadd.s32 $0x8F2B, s0  }
0xbf: {  	[sflag:s0] =	ssyncadd.remote.s32 $0x1  }
0xc0: {  	_ =	sfence.sel $0xFFFF  }
0xc1: {  	[dreg:$0x0] =	wrdreg $0xFFFFFFFF;
	(pc) =	sbr.abs _section_cstart, $3  }
0xc2: {  	[dreg:$0x1] =	wrdreg $0xFFFFFFFF  }
0xc3: {  	_ =	task.clear_ibuf [dreg:s8], $0x2FFFF;
	_ =	strace $0x9FFFFFFF  }
0xc4: {  	(tm) =	ssettm $0x7FFFFFFF  }
0xc5: {  	_ =	shalt  }
tec
execute0_lowered:
.L_overlay_start_1:
0x0: {  	(tag) =	ssettag $0x1  }
0x1: {  	s0 =	srdreg.scid  }
0x2: {  	s1 =	stileid.u32;
	s0 =	sand.u32 $0x1, s0  }
0x3: {  	s4 =	rddreg [dreg:$0x0];
	s1 =	sshll.u32 s1, $0xD;
	s2 =	sshll.u32 s0, $0xC  }
0x4: {  	s5 =	rddreg [dreg:$0x2];
	s3 =	simm.s32 $0x0;
	s1 =	sor.u32 s2, s1  }
0x5: {  	[smem:$0x7FF] =	sst s3;
	s28 =	sor.u32 $0x40000, s1  }
0x6: {  	_ =	strace $0x80000047;
	s29 =	sor.u32 $0x80000, s1;
	[smem:$0x7F7] =	sst s28  }
0x7: {  	s0 =	ssub.s32 $0x2, s0;
	s30 =	sor.u32 $0x60000, s1;
	[smem:$0x7F8] =	sst s29  }
0x8: {  	s23 =	sshrl.u32 s1, $0x3;
	s1 =	sor.u32 $0xA0000, s1;
	[smem:$0x7F9] =	sst s30  }
0x9: {  	s22 =	sshrl.u32 s0, $0x1;
	s6 =	sadd.s32 s4, s23;
	[smem:$0x7FA] =	sst s1  }
0xa: {  	s0 =	ssub.s32 s0, s22;
	s3 =	sadd.s32 s5, s23;
	[smem:$0x7F5] =	sst s6  }
0xb: {  	s24 =	sor.u32 $0x4000, s23;
	s0 =	smax.u32 s0, $0x1;
	[smem:$0x7FB] =	sst s3  }
0xc: {  	s4 =	sadd.s32 s4, s24;
	[smem:$0x7FD] =	sst s0  }
0xd: {  	s25 =	sadd.s32 $0x8000, s6;
	[smem:$0x7F2] =	sst s4  }
0xe: {  	v0 =	vimm.f32 $0.0e+00;
	v1 =	vlaneseq.u32;
	s2 =	sadd.s32 s5, s24;
	[smem:$0x7F3] =	sst s25  }
0xf: {  	v2 =	vor.u32 $0x680, v1;
	v3 =	vor.u32 $0xD00, v1;
	v4 =	vor.u32 $0x1380, v1;
	s26 =	sadd.s32 $0xC000, s6;
	[smem:$0x7F4] =	sst s2  }
0x10: {  	v5 =	vor.u32 $0x1A00, v1;
	v6 =	vor.u32 $0x2080, v1;
	v7 =	vor.u32 $0x2700, v1;
	s31 =	sadd.s32 $0x60000, s3;
	[smem:$0x7F6] =	sst s26  }
0x11: {  	v8 =	vor.u32 $0x2D80, v1;
	v9 =	vor.u32 $0x3400, v1;
	v10 =	vor.u32 $0x3A80, v1;
	[smem:$0x7FC] =	sst s31;
	s2 =	simm.s32 $0x0  }
.LBB2_1:
0x12: {  	[smem:$0x7F1] =	sst s2  }
0x13: {  	s0 =	rddreg [dreg:$0x1];
	s28 =	simm.s32 $0x0;
	s14 =	simm.s32 $0x5  }
0x14: {  	[tilespmem:s28], [sflag:$0x5] =	stream.linear.gather [hbm4b:s0+s28], $0x4100, $0x38;
	[tilespmem:$0x1A100] =	vst v63  }
0x15: {  	_ =	swait.ge [sflag:s14], $0x4100  }
0x16: {  	[sflag:s14] =	ssyncset.done $0x0  }
0x17: {  	[sflag:s14] =	ssyncadd.s32 $0xFFFFBF00  }
0x18: {  	[tilespmem:$0x0] =	vst v0  }
0x19: {  	[tilespmem:$0x680] =	vst v0  }
0x1a: {  	[tilespmem:$0xD00] =	vst v0  }
0x1b: {  	[tilespmem:$0x1380] =	vst v0  }
0x1c: {  	[tilespmem:$0x1A00] =	vst v0  }
0x1d: {  	[tilespmem:$0x2080] =	vst v0  }
0x1e: {  	[tilespmem:$0x2700] =	vst v0  }
0x1f: {  	s15 =	sld [smem:$0x7F5];
	[tilespmem:$0x2D80] =	vst v0  }
0x20: {  	[tilespmem:$0x3400] =	vst v0  }
0x21: {  	s1 =	simm.s32 $0x4100;
	s16 =	sld [smem:$0x7F2];
	[tilespmem:$0x3A80] =	vst v0  }
0x22: {  	[tilespmem:s1], [sflag:$0x3] =	stream.linear.gather [hbm4b:s15+s28], $0x1000, $0x38;
	[tilespmem:$0x1A100] =	vst v63  }
0x23: {  	s17 =	simm.s32 $0x5100;
	s3 =	simm.s32 $0x3;
	s18 =	sand.u32 $0xC00, s28  }
0x24: {  	[tilespmem:s17], [sflag:$0x4] =	stream.linear.gather [hbm4b:s16+s28], $0x1000, $0x38;
	[tilespmem:$0x1A100] =	vst v63  }
0x25: {  	s19 =	sand.u32 $0x380, s28;
	s4 =	sand.u32 $0x60, s28;
	_ =	swait.ge [sflag:s3], $0x1000  }
0x26: {  	s6 =	sor.u32 s19, s18;
	s2 =	sor.u32 $0x10, s4;
	[sflag:s3] =	ssyncset.done $0x0  }
0x27: {  	s5 =	sor.u32 s2, s6;
	[sflag:s3] =	ssyncadd.s32 $0xFFFFF000  }
0x28: {  	v11 =	vld [tilespmem:s5+$0x4100];
	_ =	sdelay $0x4  }
0x29: {  	s20 =	simm.s32 $0x100;
	v11 =	vshll.u32 v11, $0x4  }
0x2a: {  	s21 =	simm.s32 $0x20;
	s22 =	simm.s32 $0x8;
	s13 =	sor.u32 s4, s6;
	v12 =	vor.u32 v1, v11  }
0x2b: {  	s7 =	sand.u32 $0xC00, s20;
	s0 =	sand.u32 $0x60, s21;
	s3 =	sand.u32 $0x380, s22;
	v13 =	vld [tilespmem:s13+$0x4100];
	v14 =	vadd.s32 v8, v11  }
0x2c: {  	s19 =	sor.u32 $0x10, s0;
	s7 =	sor.u32 s3, s7;
	v15 =	vadd.s32 v7, v11  }
0x2d: {  	s29 =	sor.u32 s19, s7;
	v16 =	vadd.s32 v6, v11  }
0x2e: {  	v25 =	vld [tilespmem:s29+$0x4100];
	v17 =	vadd.s32 v5, v11  }
0x2f: {  	v18 =	vadd.s32 v9, v11;
	v12 =	vld.idx.msk [tilespmem:v12+s28+$0x0], $0xffff  }
0x30: {  	v13 =	vshll.u32 v13, $0x4;
	v19 =	vadd.s32 v3, v11;
	v14 =	vld.idx.msk [tilespmem:v14+s28+$0x0], $0xffff  }
0x31: {  	v20 =	vor.u32 v1, v13;
	v15 =	vld.idx.msk [tilespmem:v15+s28+$0x0], $0xffff  }
0x32: {  	v21 =	vadd.s32 v10, v13;
	v22 =	vld.idx.msk [tilespmem:v16+s28+$0x0], $0xffff  }
0x33: {  	v16 =	vadd.s32 v2, v11;
	v17 =	vld.idx.msk [tilespmem:v17+s28+$0x0], $0xffff  }
0x34: {  	v23 =	vadd.s32 v4, v11;
	v18 =	vld.idx.msk [tilespmem:v18+s28+$0x0], $0xffff  }
0x35: {  	v19 =	vld.idx.msk [tilespmem:v19+s28+$0x0], $0xffff;
	v11 =	vadd.s32 v10, v11  }
0x36: {  	v30 =	vld.idx.msk [tilespmem:v20+s28+$0x0], $0xffff;
	v20 =	vadd.s32 v9, v13  }
0x37: {  	v24 =	vadd.s32 v2, v13;
	v21 =	vld.idx.msk [tilespmem:v21+s28+$0x0], $0xffff  }
0x38: {  	v26 =	vadd.s32 v3, v13;
	v16 =	vld.idx.msk [tilespmem:v16+s28+$0x0], $0xffff  }
0x39: {  	v27 =	vadd.s32 v4, v13;
	v23 =	vld.idx.msk [tilespmem:v23+s28+$0x0], $0xffff  }
0x3a: {  	s3 =	sadd.s32 $0x8100, s6;
	s15 =	sor.u32 s0, s7;
	v29 =	vadd.s32 v5, v13;
	v28 =	vld.idx.msk [tilespmem:v11+s28+$0x0], $0xffff;
	[tilespmem:s5+$0x6100] =	vst v12  }
0x3b: {  	s8 =	sadd.s32 $0x7100, s6;
	s23 =	sor.u32 s2, s3;
	v20 =	vld.idx.msk [tilespmem:v20+s28+$0x0], $0xffff;
	v12 =	vadd.s32 v8, v13;
	[dreg:$0x4] =	wrdreg s15  }
0x3c: {  	s10 =	sor.u32 s2, s8;
	s14 =	sadd.s32 $0x9100, s6;
	[tilespmem:s23+$0x0] =	vst v19;
	v11 =	vld.idx.msk [tilespmem:v24+s28+$0x0], $0xffff;
	v19 =	vadd.s32 v7, v13;
	v13 =	vadd.s32 v6, v13  }
0x3d: {  	s9 =	sadd.s32 $0xA100, s6;
	s16 =	sor.u32 s2, s14;
	v24 =	vld.idx.msk [tilespmem:v26+s28+$0x0], $0xffff;
	[tilespmem:s10+$0x0] =	vst v16  }
0x3e: {  	s20 =	simm.s32 $0x2;
	s24 =	sadd.s32 $0xF100, s6;
	s18 =	sor.u32 s2, s9;
	v27 =	vld.idx.msk [tilespmem:v27+s28+$0x0], $0xffff;
	[tilespmem:s16+$0x0] =	vst v23  }
0x3f: {  	s11 =	sadd.s32 $0xD100, s6;
	s21 =	sadd.s32 $0xB100, s6;
	s26 =	sor.u32 s2, s24;
	v25 =	vshll.u32 v25, $0x4;
	v29 =	vld.idx.msk [tilespmem:v29+s28+$0x0], $0xffff;
	[tilespmem:s18+$0x0] =	vst v17  }
0x40: {  	s12 =	sadd.s32 $0xE100, s6;
	s25 =	sor.u32 s2, s11;
	s1 =	sor.u32 s2, s21;
	v26 =	vor.u32 v1, v25;
	v16 =	vld.idx.msk [tilespmem:v12+s28+$0x0], $0xffff;
	[tilespmem:s26+$0x0] =	vst v28  }
0x41: {  	s9 =	sor.u32 s4, s9;
	s17 =	sor.u32 s4, s12;
	s22 =	sadd.s32 $0xC100, s6;
	v23 =	vld.idx.msk [tilespmem:v13+s28+$0x0], $0xffff;
	[tilespmem:s1+$0x0] =	vst v22  }
0x42: {  	s12 =	sor.u32 s2, s12;
	s2 =	sor.u32 s2, s22;
	s6 =	sadd.s32 $0x7100, s7;
	v22 =	vld.idx.msk [tilespmem:v19+s28+$0x0], $0xffff;
	[tilespmem:s17+$0x0] =	vst v20  }
0x43: {  	s3 =	sor.u32 s4, s3;
	s23 =	sor.u32 s4, s11;
	s11 =	sadd.s32 $0xF100, s7;
	v17 =	vadd.s32 v8, v25;
	[tilespmem:s2+$0x0] =	vst v15  }
0x44: {  	s30 =	sor.u32 s19, s6;
	s5 =	sor.u32 s4, s24;
	v31 =	vld [tilespmem:s15+$0x4100];
	v28 =	vadd.s32 v7, v25;
	[tilespmem:s25+$0x0] =	vst v14;
	s25 =	sor.u32 s19, s11  }
0x45: {  	v32 =	vadd.s32 v6, v25;
	s15 =	sadd.s32 $0x9100, s7;
	s10 =	sadd.s32 $0xE100, s7;
	v19 =	vld.idx.msk [tilespmem:v26+s28+$0x0], $0xffff;
	[dreg:$0xb] =	wrdreg s25  }
0x46: {  	v33 =	vadd.s32 v5, v25;
	s16 =	sor.u32 s4, s14;
	s14 =	sor.u32 s4, s8;
	s8 =	sadd.s32 $0xD100, s7;
	[tilespmem:s12+$0x0] =	vst v18  }
0x47: {  	s24 =	sor.u32 s0, s10;
	s31 =	sor.u32 s19, s8;
	s26 =	sor.u32 s19, s15;
	v14 =	vadd.s32 v9, v25;
	[tilespmem:s5+$0x0] =	vst v21  }
0x48: {  	v34 =	vadd.s32 v3, v25;
	s18 =	sor.u32 s0, s6;
	s6 =	smov.u32 s0;
	v12 =	vld.idx.msk [tilespmem:v17+s28+$0x0], $0xffff;
	[dreg:$0x11] =	wrdreg s26  }
0x49: {  	s1 =	smov.u32 s19;
	s2 =	sadd.s32 $0xA100, s7;
	s11 =	sor.u32 s0, s11;
	v13 =	vld.idx.msk [tilespmem:v28+s28+$0x0], $0xffff  }
0x4a: {  	s25 =	sor.u32 s4, s21;
	s5 =	sor.u32 s0, s15;
	s15 =	sor.u32 s19, s10;
	v18 =	vshll.u32 v31, $0x4;
	[tilespmem:s3+$0x0] =	vst v24;
	v15 =	vld.idx.msk [tilespmem:v32+s28+$0x0], $0xffff  }
0x4b: {  	v20 =	vadd.s32 v10, v25;
	s10 =	sor.u32 s0, s2;
	s2 =	sor.u32 s19, s2;
	s0 =	smov.u32 s7;
	v26 =	vadd.s32 v9, v18;
	v21 =	vld.idx.msk [tilespmem:v33+s28+$0x0], $0xffff;
	[tilespmem:s16+$0x0] =	vst v27  }
0x4c: {  	s7 =	sor.u32 s6, s8;
	s12 =	simm.s32 $0x40;
	s26 =	sor.u32 s4, s22;
	v24 =	vadd.s32 v4, v25;
	v28 =	vor.u32 v1, v18;
	v14 =	vld.idx.msk [tilespmem:v14+s28+$0x0], $0xffff;
	[tilespmem:s9+$0x0] =	vst v29  }
0x4d: {  	s22 =	sadd.s32 $0x8100, s0;
	s4 =	simm.s32 $0x200;
	v27 =	vadd.s32 v10, v18;
	v29 =	vadd.s32 v2, v25;
	v25 =	vld.idx.msk [tilespmem:v34+s28+$0x0], $0xffff;
	[tilespmem:s13+$0x6100] =	vst v30;
	s13 =	simm.s32 $0x10  }
.LBB2_2:
0x4e: {  	[smem:$0x7EE] =	sst s11  }
0x4f: {  	[smem:$0x7ED] =	sst s15  }
0x50: {  	[dreg:$0x1f] =	wrdreg s31  }
0x51: {  	[dreg:$0x17] =	wrdreg s10  }
0x52: {  	[dreg:$0x12] =	wrdreg s5  }
0x53: {  	s3 =	sand.u32 $0xC00, s4;
	s28 =	sand.u32 $0x380, s13;
	s20 =	sadd.s32 $0x2, s20  }
0x54: {  	s19 =	simm.s32 $0x0;
	s31 =	sand.u32 $0x60, s12;
	s15 =	smov.u32 s0  }
0x55: {  	s0 =	smov.u32 s6;
	s4 =	sadd.s32 $0x100, s4;
	s28 =	sor.u32 s28, s3  }
0x56: {  	s12 =	sadd.s32 $0x20, s12;
	v17 =	vld.idx.msk [tilespmem:v28+s19+$0x0], $0xffff;
	s5 =	sor.u32 $0x10, s31;
	s3 =	sadd.s32 $0x7100, s28  }
0x57: {  	v30 =	vld.idx.msk [tilespmem:v20+s19+$0x0], $0xffff;
	s8 =	sadd.s32 $0xA100, s28;
	s6 =	sadd.s32 $0xD100, s28;
	s16 =	sadd.s32 $0xE100, s28  }
0x58: {  	s9 =	sadd.s32 $0xF100, s28;
	s21 =	sadd.s32 $0x9100, s28;
	[tilespmem:s25+$0x0] =	vst v23;
	s25 =	sor.u32 s31, s28;
	v23 =	vld.idx.msk [tilespmem:v24+s19+$0x0], $0xffff  }
0x59: {  	s10 =	sor.u32 s5, s6;
	s17 =	sor.u32 s5, s21;
	s21 =	sor.u32 s31, s21;
	v27 =	vld.idx.msk [tilespmem:v27+s19+$0x0], $0xffff;
	[tilespmem:s26+$0x0] =	vst v22  }
0x5a: {  	s11 =	sor.u32 s5, s9;
	v22 =	vld.idx.msk [tilespmem:v29+s19+$0x0], $0xffff;
	[tilespmem:s23+$0x0] =	vst v16;
	s26 =	sor.u32 s5, s28;
	[smem:$0x7EF] =	sst s21  }
0x5b: {  	v31 =	vadd.s32 v5, v18;
	s21 =	sor.u32 s31, s9;
	s9 =	sor.u32 s31, s8;
	v24 =	vld [tilespmem:s26+$0x4100];
	[tilespmem:s29+$0x6100] =	vst v19;
	s29 =	sor.u32 s1, s22  }
0x5c: {  	v28 =	vadd.s32 v3, v18;
	[tilespmem:s14+$0x0] =	vst v11;
	[smem:$0x7F0] =	sst s9;
	s9 =	smov.u32 s7;
	s7 =	smov.u32 s18  }
0x5d: {  	v16 =	vadd.s32 v2, v18;
	s18 =	sor.u32 s5, s8;
	s8 =	sor.u32 s31, s6;
	s6 =	rddreg [dreg:$0x11];
	[tilespmem:s2+$0x0] =	vst v21  }
0x5e: {  	s23 =	sor.u32 s5, s3;
	v29 =	vadd.s32 v4, v18;
	v26 =	vld.idx.msk [tilespmem:v26+s19+$0x0], $0xffff;
	[tilespmem:s29+$0x0] =	vst v25;
	s29 =	smov.u32 s26;
	s26 =	rddreg [dreg:$0xb]  }
0x5f: {  	s14 =	sor.u32 s31, s16;
	v32 =	vld [tilespmem:s25+$0x4100];
	v19 =	vadd.s32 v8, v18;
	s2 =	smov.u32 s25;
	[tilespmem:s6+$0x0] =	vst v23;
	s6 =	rddreg [dreg:$0x4]  }
0x60: {  	s16 =	sor.u32 s5, s16;
	v31 =	vld.idx.msk [tilespmem:v31+s19+$0x0], $0xffff;
	v25 =	vadd.s32 v7, v18;
	[dreg:$0x4] =	wrdreg s2;
	s2 =	sadd.s32 $0xC100, s15  }
0x61: {  	v34 =	vld.idx.msk [tilespmem:v28+s19+$0x0], $0xffff;
	v18 =	vadd.s32 v6, v18;
	[tilespmem:s30+$0x0] =	vst v22;
	s30 =	sor.u32 s31, s3;
	s3 =	smov.u32 s6;
	s6 =	sadd.s32 $0xB100, s15;
	v33 =	vshll.u32 v24, $0x4  }
0x62: {  	[tilespmem:s26+$0x0] =	vst v30;
	v11 =	vld.idx.msk [tilespmem:v16+s19+$0x0], $0xffff;
	s26 =	sor.u32 s0, s2;
	s2 =	sor.u32 s1, s2;
	s15 =	rddreg [dreg:$0x1f];
	v24 =	vor.u32 v1, v33  }
0x63: {  	v36 =	vld.idx.msk [tilespmem:v29+s19+$0x0], $0xffff;
	s25 =	sor.u32 s0, s6;
	s6 =	sor.u32 s1, s6;
	s1 =	smov.u32 s5;
	v21 =	vadd.s32 v8, v33  }
0x64: {  	v16 =	vld.idx.msk [tilespmem:v19+s19+$0x0], $0xffff;
	[tilespmem:s2+$0x0] =	vst v13;
	s5 =	smov.u32 s23;
	s23 =	smov.u32 s11;
	s11 =	sld [smem:$0x7EE];
	v29 =	vadd.s32 v7, v33  }
0x65: {  	[tilespmem:s6+$0x0] =	vst v15;
	s6 =	smov.u32 s31;
	v15 =	vadd.s32 v6, v33;
	v22 =	vld.idx.msk [tilespmem:v25+s19+$0x0], $0xffff;
	s31 =	smov.u32 s10;
	s10 =	sld [smem:$0x7ED]  }
0x66: {  	s22 =	sor.u32 s0, s22;
	[tilespmem:s15+$0x0] =	vst v12;
	s15 =	smov.u32 s16;
	s16 =	rddreg [dreg:$0x12];
	v25 =	vadd.s32 v5, v33;
	v23 =	vld.idx.msk [tilespmem:v18+s19+$0x0], $0xffff  }
0x67: {  	s0 =	smov.u32 s28;
	s28 =	smov.u32 s17;
	s17 =	sld [smem:$0x7EF];
	v35 =	vadd.s32 v9, v33;
	[tilespmem:s24+$0x0] =	vst v26;
	v19 =	vld.idx.msk [tilespmem:v24+s19+$0x0], $0xffff  }
0x68: {  	s13 =	sadd.s32 $0x8, s13;
	p0 =	slt.u32 s20, $0xFE;
	[dreg:$0xb] =	wrdreg s23;
	v30 =	vadd.s32 v3, v33;
	v12 =	vld.idx.msk [tilespmem:v21+s19+$0x0], $0xffff;
	[tilespmem:s10+$0x0] =	vst v14  }
.Ltmp0:
0x69: {  	s2 =	smov.u32 s18;
	[dreg:$0x11] =	wrdreg s28;
	[tilespmem:s22+$0x0] =	vst v34;
	v13 =	vld.idx.msk [tilespmem:v29+s19+$0x0], $0xffff;
	(pc) =	sbr.rel @p0 .LBB2_2-.Ltmp0, $4  }
0x6a: {  	s18 =	smov.u32 s30;
	s24 =	smov.u32 s14;
	v18 =	vshll.u32 v32, $0x4;
	s28 =	sld [smem:$0x7F0];
	[tilespmem:s3+$0x6100] =	vst v17;
	v15 =	vld.idx.msk [tilespmem:v15+s19+$0x0], $0xffff  }
0x6b: {  	v20 =	vadd.s32 v10, v33;
	s14 =	smov.u32 s7;
	s30 =	smov.u32 s5;
	s23 =	smov.u32 s9;
	v28 =	vor.u32 v1, v18;
	[tilespmem:s11+$0x0] =	vst v27;
	v21 =	vld.idx.msk [tilespmem:v25+s19+$0x0], $0xffff  }
0x6c: {  	s7 =	smov.u32 s8;
	v26 =	vadd.s32 v9, v18;
	s11 =	smov.u32 s21;
	v27 =	vadd.s32 v10, v18;
	s21 =	rddreg [dreg:$0x17];
	[tilespmem:s16+$0x0] =	vst v36;
	v14 =	vld.idx.msk [tilespmem:v35+s19+$0x0], $0xffff  }
0x6d: {  	s22 =	sadd.s32 $0x8100, s0;
	s5 =	smov.u32 s17;
	[tilespmem:s21+$0x0] =	vst v31;
	v24 =	vadd.s32 v4, v33;
	s10 =	smov.u32 s28;
	v29 =	vadd.s32 v2, v33;
	v25 =	vld.idx.msk [tilespmem:v30+s19+$0x0], $0xffff  }
0x6e: {  	_ =	sdelay $0x2  }
0x6f: {  	s28 =	simm.s32 $0x0;
	[tilespmem:s25+$0x0] =	vst v23  }
0x70: {  	[tilespmem:s26+$0x0] =	vst v22;
	v22 =	vld.idx.msk [tilespmem:v29+s28+$0x0], $0xffff  }
0x71: {  	v20 =	vld.idx.msk [tilespmem:v20+s28+$0x0], $0xffff;
	[tilespmem:s23+$0x0] =	vst v16  }
0x72: {  	v23 =	vadd.s32 v2, v18;
	v16 =	vld.idx.msk [tilespmem:v24+s28+$0x0], $0xffff;
	[tilespmem:s29+$0x6100] =	vst v19  }
0x73: {  	s3 =	sor.u32 s1, s22;
	v24 =	vadd.s32 v3, v18;
	[tilespmem:s14+$0x0] =	vst v11  }
0x74: {  	v17 =	vld.idx.msk [tilespmem:v28+s28+$0x0], $0xffff;
	v28 =	vadd.s32 v4, v18;
	[tilespmem:s3+$0x0] =	vst v25  }
0x75: {  	v11 =	vld.idx.msk [tilespmem:v27+s28+$0x0], $0xffff;
	v27 =	vadd.s32 v5, v18;
	[tilespmem:s30+$0x0] =	vst v22  }
0x76: {  	v19 =	vld.idx.msk [tilespmem:v26+s28+$0x0], $0xffff;
	v26 =	vadd.s32 v8, v18;
	s3 =	rddreg [dreg:$0x11]  }
0x77: {  	v25 =	vadd.s32 v7, v18;
	v23 =	vld.idx.msk [tilespmem:v23+s28+$0x0], $0xffff;
	[tilespmem:s3+$0x0] =	vst v16  }
0x78: {  	v18 =	vadd.s32 v6, v18;
	v22 =	vld.idx.msk [tilespmem:v24+s28+$0x0], $0xffff;
	[tilespmem:s2+$0x0] =	vst v21  }
0x79: {  	s8 =	sadd.s32 $0xB100, s0;
	v16 =	vld.idx.msk [tilespmem:v28+s28+$0x0], $0xffff;
	s12 =	rddreg [dreg:$0xb]  }
0x7a: {  	s9 =	sadd.s32 $0xC100, s0;
	s4 =	sor.u32 s1, s8;
	v21 =	vld.idx.msk [tilespmem:v27+s28+$0x0], $0xffff;
	[tilespmem:s12+$0x0] =	vst v20  }
0x7b: {  	s13 =	sor.u32 s1, s9;
	v20 =	vld.idx.msk [tilespmem:v26+s28+$0x0], $0xffff;
	[tilespmem:s4+$0x0] =	vst v15  }
0x7c: {  	v15 =	vld.idx.msk [tilespmem:v25+s28+$0x0], $0xffff;
	[tilespmem:s13+$0x0] =	vst v13  }
0x7d: {  	v13 =	vld.idx.msk [tilespmem:v18+s28+$0x0], $0xffff;
	[tilespmem:s24+$0x0] =	vst v19  }
0x7e: {  	[tilespmem:s31+$0x0] =	vst v12  }
0x7f: {  	[tilespmem:s11+$0x0] =	vst v11  }
0x80: {  	s14 =	sor.u32 s6, s22;
	[tilespmem:s15+$0x0] =	vst v14  }
0x81: {  	[tilespmem:s14+$0x0] =	vst v22  }
0x82: {  	[tilespmem:s5+$0x0] =	vst v16  }
0x83: {  	[tilespmem:s10+$0x0] =	vst v21  }
0x84: {  	s16 =	rddreg [dreg:$0x4]  }
0x85: {  	s15 =	sor.u32 s6, s8;
	[tilespmem:s16+$0x6100] =	vst v17  }
0x86: {  	s17 =	sor.u32 s6, s9;
	[tilespmem:s15+$0x0] =	vst v13  }
0x87: {  	[tilespmem:s17+$0x0] =	vst v15  }
0x88: {  	[tilespmem:s7+$0x0] =	vst v20  }
0x89: {  	[tilespmem:s18+$0x0] =	vst v23  }
0x8a: {  	s0 =	sld [smem:$0x7FB]  }
0x8b: {  	s19 =	simm.s32 $0x320000;
	s20 =	simm.s32 $0x6100  }
0x8c: {  	s21 =	simm.s32 $0x0;
	s18 =	simm.s32 $0x1000;
	s22 =	sld [smem:$0x7F3]  }
0x8d: {  	[hbm4b:s0+s18] =	stream.strided.scatter [tilespmem:s20], [sflag:$0x1], $0xA000, s19, s18, $0x38;
	[tilespmem:$0x1A100] =	vst v63  }
0x8e: {  	s25 =	sand.u32 $0xC00, s21;
	s23 =	simm.s32 $0x4100;
	s24 =	simm.s32 $0x4  }
0x8f: {  	[tilespmem:s23], [sflag:$0x3] =	stream.linear.gather [hbm4b:s22+s21], $0x1000, $0x38;
	[tilespmem:$0x1A100] =	vst v63  }
0x90: {  	s26 =	sand.u32 $0x380, s21;
	s4 =	sand.u32 $0x60, s21;
	_ =	swait.ge [sflag:s24], $0x1000  }
0x91: {  	s2 =	sor.u32 s26, s25;
	s11 =	sor.u32 $0x10, s4;
	[sflag:s24] =	ssyncset.done $0x0  }
0x92: {  	s18 =	sor.u32 s11, s2;
	[sflag:s24] =	ssyncadd.s32 $0xFFFFF000  }
0x93: {  	v11 =	vld [tilespmem:s18+$0x5100];
	_ =	sdelay $0x4  }
0x94: {  	s13 =	sor.u32 s4, s2;
	v11 =	vshll.u32 v11, $0x4  }
0x95: {  	s19 =	simm.s32 $0x100;
	s20 =	simm.s32 $0x20;
	s21 =	simm.s32 $0x8;
	v12 =	vor.u32 v1, v11  }
0x96: {  	s0 =	sand.u32 $0x60, s20;
	s22 =	sand.u32 $0xC00, s19;
	s3 =	sand.u32 $0x380, s21;
	v13 =	vld [tilespmem:s13+$0x5100];
	v14 =	vadd.s32 v8, v11  }
0x97: {  	s31 =	sor.u32 $0x10, s0;
	s7 =	sor.u32 s3, s22;
	v15 =	vadd.s32 v7, v11  }
0x98: {  	s29 =	sor.u32 s31, s7;
	v16 =	vadd.s32 v6, v11  }
0x99: {  	v25 =	vld [tilespmem:s29+$0x5100];
	v17 =	vadd.s32 v5, v11  }
0x9a: {  	v18 =	vadd.s32 v9, v11;
	v12 =	vld.idx.msk [tilespmem:v12+s28+$0x0], $0xffff  }
0x9b: {  	v13 =	vshll.u32 v13, $0x4;
	v19 =	vadd.s32 v3, v11;
	v14 =	vld.idx.msk [tilespmem:v14+s28+$0x0], $0xffff  }
0x9c: {  	v20 =	vor.u32 v1, v13;
	v15 =	vld.idx.msk [tilespmem:v15+s28+$0x0], $0xffff  }
0x9d: {  	v21 =	vadd.s32 v10, v13;
	v22 =	vld.idx.msk [tilespmem:v16+s28+$0x0], $0xffff  }
0x9e: {  	v16 =	vadd.s32 v2, v11;
	v17 =	vld.idx.msk [tilespmem:v17+s28+$0x0], $0xffff  }
0x9f: {  	v23 =	vadd.s32 v4, v11;
	v18 =	vld.idx.msk [tilespmem:v18+s28+$0x0], $0xffff  }
0xa0: {  	v19 =	vld.idx.msk [tilespmem:v19+s28+$0x0], $0xffff;
	v11 =	vadd.s32 v10, v11  }
0xa1: {  	v30 =	vld.idx.msk [tilespmem:v20+s28+$0x0], $0xffff;
	v20 =	vadd.s32 v9, v13  }
0xa2: {  	v21 =	vld.idx.msk [tilespmem:v21+s28+$0x0], $0xffff  }
0xa3: {  	v16 =	vld.idx.msk [tilespmem:v16+s28+$0x0], $0xffff  }
0xa4: {  	v24 =	vadd.s32 v2, v13;
	v23 =	vld.idx.msk [tilespmem:v23+s28+$0x0], $0xffff  }
0xa5: {  	s3 =	sadd.s32 $0x12100, s2;
	s24 =	sor.u32 s0, s7;
	v26 =	vadd.s32 v3, v13;
	v28 =	vld.idx.msk [tilespmem:v11+s28+$0x0], $0xffff;
	[tilespmem:s18+$0x10100] =	vst v12  }
0xa6: {  	s8 =	sadd.s32 $0x11100, s2;
	s25 =	sor.u32 s11, s3;
	v27 =	vadd.s32 v4, v13;
	v20 =	vld.idx.msk [tilespmem:v20+s28+$0x0], $0xffff;
	[dreg:$0x6] =	wrdreg s24  }
0xa7: {  	s1 =	sadd.s32 $0x13100, s2;
	s23 =	sor.u32 s11, s8;
	v29 =	vadd.s32 v5, v13;
	[tilespmem:s25+$0x0] =	vst v19  }
0xa8: {  	s9 =	sadd.s32 $0x14100, s2;
	s16 =	sor.u32 s11, s1;
	v12 =	vadd.s32 v8, v13;
	v31 =	vld [tilespmem:s24+$0x5100];
	[tilespmem:s23+$0x0] =	vst v16  }
0xa9: {  	s18 =	sadd.s32 $0x19100, s2;
	v11 =	vld.idx.msk [tilespmem:v24+s28+$0x0], $0xffff;
	v19 =	vadd.s32 v7, v13;
	s23 =	sor.u32 s11, s9;
	[tilespmem:s16+$0x0] =	vst v23  }
0xaa: {  	s26 =	sadd.s32 $0x17100, s2;
	s21 =	sadd.s32 $0x15100, s2;
	s22 =	sor.u32 s11, s18;
	v24 =	vld.idx.msk [tilespmem:v26+s28+$0x0], $0xffff;
	[tilespmem:s23+$0x0] =	vst v17  }
0xab: {  	s12 =	sadd.s32 $0x18100, s2;
	s6 =	sadd.s32 $0x16100, s2;
	v25 =	vshll.u32 v25, $0x4;
	v13 =	vadd.s32 v6, v13;
	v27 =	vld.idx.msk [tilespmem:v27+s28+$0x0], $0xffff;
	s24 =	sor.u32 s11, s21;
	[tilespmem:s22+$0x0] =	vst v28  }
0xac: {  	s14 =	sor.u32 s4, s8;
	s8 =	sadd.s32 $0x11100, s7;
	s2 =	sor.u32 s11, s6;
	v26 =	vor.u32 v1, v25;
	v29 =	vld.idx.msk [tilespmem:v29+s28+$0x0], $0xffff;
	[tilespmem:s24+$0x0] =	vst v22  }
0xad: {  	s17 =	sor.u32 s4, s12;
	s12 =	sor.u32 s11, s12;
	s25 =	sor.u32 s31, s8;
	v16 =	vld.idx.msk [tilespmem:v12+s28+$0x0], $0xffff;
	[tilespmem:s2+$0x0] =	vst v15  }
0xae: {  	s20 =	simm.s32 $0x2;
	s19 =	sor.u32 s11, s26;
	v17 =	vadd.s32 v8, v25;
	v22 =	vld.idx.msk [tilespmem:v19+s28+$0x0], $0xffff;
	[dreg:$0x10] =	wrdreg s25  }
0xaf: {  	s10 =	sadd.s32 $0x14100, s7;
	s23 =	sor.u32 s4, s26;
	s26 =	sadd.s32 $0x19100, s7;
	v28 =	vadd.s32 v7, v25;
	[tilespmem:s19+$0x0] =	vst v14  }
0xb0: {  	s15 =	sadd.s32 $0x18100, s7;
	s3 =	sor.u32 s4, s3;
	v32 =	vadd.s32 v6, v25;
	s25 =	sor.u32 s31, s26;
	v23 =	vld.idx.msk [tilespmem:v13+s28+$0x0], $0xffff;
	[tilespmem:s17+$0x0] =	vst v20  }
0xb1: {  	v33 =	vadd.s32 v5, v25;
	s5 =	sor.u32 s4, s18;
	s9 =	sor.u32 s4, s9;
	v19 =	vld.idx.msk [tilespmem:v26+s28+$0x0], $0xffff;
	[dreg:$0xd] =	wrdreg s25  }
0xb2: {  	s11 =	sadd.s32 $0x17100, s7;
	s16 =	sor.u32 s4, s1;
	v14 =	vadd.s32 v9, v25;
	s17 =	smov.u32 s0;
	[tilespmem:s12+$0x0] =	vst v18  }
0xb3: {  	s1 =	sadd.s32 $0x13100, s7;
	s30 =	sor.u32 s17, s26;
	s26 =	sor.u32 s31, s15;
	v18 =	vadd.s32 v3, v25;
	v12 =	vld.idx.msk [tilespmem:v17+s28+$0x0], $0xffff;
	[tilespmem:s5+$0x0] =	vst v21  }
0xb4: {  	s22 =	sadd.s32 $0x12100, s7;
	s2 =	sor.u32 s31, s1;
	v13 =	vld.idx.msk [tilespmem:v28+s28+$0x0], $0xffff;
	[dreg:$0xa] =	wrdreg s26  }
0xb5: {  	s19 =	sor.u32 s31, s11;
	s24 =	sor.u32 s17, s15;
	s18 =	sor.u32 s17, s10;
	v17 =	vshll.u32 v31, $0x4;
	[tilespmem:s3+$0x0] =	vst v24;
	v15 =	vld.idx.msk [tilespmem:v32+s28+$0x0], $0xffff  }
0xb6: {  	v20 =	vadd.s32 v10, v25;
	s15 =	sor.u32 s31, s10;
	s10 =	sor.u32 s17, s8;
	s11 =	sor.u32 s17, s11;
	v28 =	vor.u32 v1, v17;
	v21 =	vld.idx.msk [tilespmem:v33+s28+$0x0], $0xffff;
	[tilespmem:s16+$0x0] =	vst v27  }
0xb7: {  	s25 =	sor.u32 s4, s21;
	s5 =	sor.u32 s17, s1;
	s12 =	simm.s32 $0x40;
	v26 =	vadd.s32 v9, v17;
	v24 =	vadd.s32 v4, v25;
	v14 =	vld.idx.msk [tilespmem:v14+s28+$0x0], $0xffff;
	[tilespmem:s9+$0x0] =	vst v29  }
0xb8: {  	s26 =	sor.u32 s4, s6;
	s4 =	simm.s32 $0x200;
	v27 =	vadd.s32 v10, v17;
	v29 =	vadd.s32 v2, v25;
	v25 =	vld.idx.msk [tilespmem:v18+s28+$0x0], $0xffff;
	[tilespmem:s13+$0x10100] =	vst v30;
	s13 =	simm.s32 $0x10  }
.LBB2_4:
0xb9: {  	[smem:$0x7E9] =	sst s10  }
0xba: {  	[smem:$0x7E8] =	sst s24  }
0xbb: {  	[smem:$0x7EA] =	sst s11  }
0xbc: {  	[dreg:$0x13] =	wrdreg s5  }
0xbd: {  	s3 =	sand.u32 $0xC00, s4;
	s16 =	sand.u32 $0x380, s13;
	s20 =	sadd.s32 $0x2, s20  }
0xbe: {  	s0 =	simm.s32 $0x0;
	s1 =	smov.u32 s31;
	s31 =	sand.u32 $0x60, s12  }
0xbf: {  	s24 =	smov.u32 s19;
	s19 =	smov.u32 s17;
	s4 =	sadd.s32 $0x100, s4  }
0xc0: {  	s12 =	sadd.s32 $0x20, s12;
	v18 =	vld.idx.msk [tilespmem:v28+s0+$0x0], $0xffff;
	[tilespmem:s25+$0x0] =	vst v23;
	s28 =	sor.u32 s16, s3;
	s5 =	sor.u32 $0x10, s31  }
0xc1: {  	v27 =	vld.idx.msk [tilespmem:v27+s0+$0x0], $0xffff;
	[tilespmem:s26+$0x0] =	vst v22;
	s3 =	sadd.s32 $0x11100, s28;
	s8 =	sadd.s32 $0x14100, s28;
	s26 =	sor.u32 s5, s28  }
0xc2: {  	v23 =	vld.idx.msk [tilespmem:v24+s0+$0x0], $0xffff;
	s16 =	sadd.s32 $0x18100, s28;
	s9 =	sadd.s32 $0x19100, s28;
	s21 =	sadd.s32 $0x13100, s28  }
0xc3: {  	v30 =	vld.idx.msk [tilespmem:v20+s0+$0x0], $0xffff;
	[tilespmem:s14+$0x0] =	vst v11;
	s6 =	sor.u32 s5, s3;
	s11 =	sor.u32 s5, s9;
	s14 =	sor.u32 s31, s16  }
0xc4: {  	v22 =	vld.idx.msk [tilespmem:v29+s0+$0x0], $0xffff;
	[tilespmem:s23+$0x0] =	vst v16;
	s10 =	sor.u32 s5, s21;
	s21 =	sor.u32 s31, s21;
	[smem:$0x7E7] =	sst s6  }
0xc5: {  	v31 =	vadd.s32 v5, v17;
	v24 =	vld [tilespmem:s26+$0x5100];
	[tilespmem:s29+$0x10100] =	vst v19;
	s29 =	sor.u32 s1, s22;
	s16 =	sor.u32 s5, s16;
	[smem:$0x7EB] =	sst s21  }
0xc6: {  	v28 =	vadd.s32 v3, v17;
	[tilespmem:s29+$0x0] =	vst v25;
	s21 =	sor.u32 s31, s8;
	s29 =	smov.u32 s26;
	s26 =	rddreg [dreg:$0xd]  }
0xc7: {  	v16 =	vadd.s32 v2, v17;
	[tilespmem:s24+$0x0] =	vst v12;
	s24 =	smov.u32 s11;
	s11 =	smov.u32 s16;
	s16 =	sld [smem:$0x7EA]  }
0xc8: {  	s25 =	sor.u32 s31, s28;
	s17 =	sadd.s32 $0x17100, s28;
	v29 =	vadd.s32 v4, v17;
	v26 =	vld.idx.msk [tilespmem:v26+s0+$0x0], $0xffff;
	[smem:$0x7EC] =	sst s21  }
0xc9: {  	v32 =	vld [tilespmem:s25+$0x5100];
	v19 =	vadd.s32 v8, v17;
	s21 =	smov.u32 s18;
	s18 =	sor.u32 s5, s8;
	s8 =	rddreg [dreg:$0x10]  }
0xca: {  	p0 =	slt.u32 s20, $0xFE;
	s23 =	sor.u32 s5, s17;
	v25 =	vadd.s32 v7, v17;
	[tilespmem:s15+$0x0] =	vst v21;
	v31 =	vld.idx.msk [tilespmem:v31+s0+$0x0], $0xffff;
	s15 =	sld [smem:$0x7E7]  }
0xcb: {  	s9 =	sor.u32 s31, s9;
	s6 =	smov.u32 s30;
	v17 =	vadd.s32 v6, v17;
	[dreg:$0xd] =	wrdreg s24;
	v34 =	vld.idx.msk [tilespmem:v28+s0+$0x0], $0xffff  }
0xcc: {  	s30 =	sor.u32 s31, s3;
	v11 =	vld.idx.msk [tilespmem:v16+s0+$0x0], $0xffff;
	[tilespmem:s8+$0x0] =	vst v22;
	s8 =	sor.u32 s31, s17;
	s17 =	rddreg [dreg:$0x6];
	v33 =	vshll.u32 v24, $0x4  }
0xcd: {  	[tilespmem:s2+$0x0] =	vst v23;
	s2 =	sadd.s32 $0x15100, s7;
	v36 =	vld.idx.msk [tilespmem:v29+s0+$0x0], $0xffff;
	s3 =	smov.u32 s17;
	s17 =	smov.u32 s25;
	v24 =	vor.u32 v1, v33  }
0xce: {  	[tilespmem:s26+$0x0] =	vst v30;
	s25 =	sor.u32 s19, s2;
	s2 =	sor.u32 s1, s2;
	v16 =	vld.idx.msk [tilespmem:v19+s0+$0x0], $0xffff;
	[dreg:$0x6] =	wrdreg s17;
	v21 =	vadd.s32 v8, v33  }
0xcf: {  	s17 =	sadd.s32 $0x16100, s7;
	v29 =	vadd.s32 v7, v33;
	[tilespmem:s2+$0x0] =	vst v15;
	v22 =	vld.idx.msk [tilespmem:v25+s0+$0x0], $0xffff;
	s7 =	smov.u32 s28;
	s28 =	sld [smem:$0x7E8]  }
0xd0: {  	v15 =	vadd.s32 v6, v33;
	v23 =	vld.idx.msk [tilespmem:v17+s0+$0x0], $0xffff;
	s2 =	smov.u32 s10;
	s10 =	rddreg [dreg:$0xa];
	[tilespmem:s6+$0x0] =	vst v27;
	s1 =	sor.u32 s1, s17  }
0xd1: {  	s22 =	sor.u32 s19, s22;
	v25 =	vadd.s32 v5, v33;
	[dreg:$0xa] =	wrdreg s11;
	s26 =	sor.u32 s19, s17;
	[tilespmem:s1+$0x0] =	vst v13  }
0xd2: {  	v35 =	vadd.s32 v9, v33;
	[tilespmem:s3+$0x10100] =	vst v18;
	s17 =	smov.u32 s31;
	s31 =	smov.u32 s5;
	s5 =	sld [smem:$0x7E9];
	v19 =	vld.idx.msk [tilespmem:v24+s0+$0x0], $0xffff  }
0xd3: {  	v30 =	vadd.s32 v3, v33;
	s19 =	smov.u32 s15;
	s15 =	smov.u32 s18;
	s18 =	rddreg [dreg:$0x13];
	v12 =	vld.idx.msk [tilespmem:v21+s0+$0x0], $0xffff;
	[tilespmem:s10+$0x0] =	vst v14  }
.Ltmp1:
0xd4: {  	s13 =	sadd.s32 $0x8, s13;
	[tilespmem:s22+$0x0] =	vst v34;
	s22 =	sld [smem:$0x7EB];
	v13 =	vld.idx.msk [tilespmem:v29+s0+$0x0], $0xffff;
	(pc) =	sbr.rel @p0 .LBB2_4-.Ltmp1, $4  }
0xd5: {  	s24 =	smov.u32 s14;
	s11 =	smov.u32 s8;
	[tilespmem:s28+$0x0] =	vst v26;
	s28 =	sld [smem:$0x7EC];
	v15 =	vld.idx.msk [tilespmem:v15+s0+$0x0], $0xffff  }
0xd6: {  	v20 =	vadd.s32 v10, v33;
	v17 =	vshll.u32 v32, $0x4;
	[tilespmem:s21+$0x0] =	vst v31;
	[dreg:$0x10] =	wrdreg s19;
	s19 =	smov.u32 s23;
	s23 =	smov.u32 s16;
	v21 =	vld.idx.msk [tilespmem:v25+s0+$0x0], $0xffff  }
0xd7: {  	v28 =	vor.u32 v1, v17;
	v27 =	vadd.s32 v10, v17;
	[tilespmem:s18+$0x0] =	vst v36;
	s14 =	smov.u32 s5;
	s10 =	smov.u32 s30;
	s30 =	smov.u32 s9;
	v14 =	vld.idx.msk [tilespmem:v35+s0+$0x0], $0xffff  }
0xd8: {  	v26 =	vadd.s32 v9, v17;
	v24 =	vadd.s32 v4, v33;
	s5 =	smov.u32 s22;
	s22 =	sadd.s32 $0x12100, s7;
	v29 =	vadd.s32 v2, v33;
	s18 =	smov.u32 s28;
	v25 =	vld.idx.msk [tilespmem:v30+s0+$0x0], $0xffff  }
0xd9: {  	_ =	sdelay $0x2  }
0xda: {  	s0 =	simm.s32 $0x0  }
0xdb: {  	v18 =	vld.idx.msk [tilespmem:v28+s0+$0x0], $0xffff  }
0xdc: {  	v50 =	vadd.s32 v2, v17;
	v49 =	vld.idx.msk [tilespmem:v29+s0+$0x0], $0xffff  }
0xdd: {  	[tilespmem:s25+$0x0] =	vst v23;
	v52 =	vadd.s32 v3, v17;
	v51 =	vld.idx.msk [tilespmem:v24+s0+$0x0], $0xffff  }
0xde: {  	v53 =	vadd.s32 v5, v17;
	[tilespmem:s26+$0x0] =	vst v22;
	v20 =	vld.idx.msk [tilespmem:v20+s0+$0x0], $0xffff  }
0xdf: {  	v55 =	vadd.s32 v8, v17;
	v27 =	vld.idx.msk [tilespmem:v27+s0+$0x0], $0xffff;
	[tilespmem:s29+$0x10100] =	vst v19  }
0xe0: {  	v57 =	vadd.s32 v7, v17;
	v54 =	vld.idx.msk [tilespmem:v26+s0+$0x0], $0xffff;
	[tilespmem:s23+$0x0] =	vst v16  }
0xe1: {  	s3 =	sor.u32 s31, s22;
	v59 =	vadd.s32 v6, v17;
	[tilespmem:s14+$0x0] =	vst v11;
	v56 =	vld.idx.msk [tilespmem:v50+s0+$0x0], $0xffff  }
0xe2: {  	v11 =	vadd.s32 v4, v17;
	[tilespmem:s3+$0x0] =	vst v25;
	v58 =	vld.idx.msk [tilespmem:v52+s0+$0x0], $0xffff  }
0xe3: {  	s1 =	rddreg [dreg:$0x10];
	v60 =	vld.idx.msk [tilespmem:v53+s0+$0x0], $0xffff  }
0xe4: {  	v61 =	vld.idx.msk [tilespmem:v55+s0+$0x0], $0xffff;
	[tilespmem:s1+$0x0] =	vst v49  }
0xe5: {  	v62 =	vld.idx.msk [tilespmem:v57+s0+$0x0], $0xffff;
	[tilespmem:s2+$0x0] =	vst v51  }
0xe6: {  	v63 =	vld.idx.msk [tilespmem:v59+s0+$0x0], $0xffff;
	[tilespmem:s15+$0x0] =	vst v21  }
0xe7: {  	s14 =	sadd.s32 $0x15100, s7;
	v11 =	vld.idx.msk [tilespmem:v11+s0+$0x0], $0xffff;
	s1 =	rddreg [dreg:$0xd];
	[tilespmem:s24+$0x0] =	vst v54  }
0xe8: {  	s4 =	sor.u32 s31, s14;
	s15 =	sadd.s32 $0x16100, s7;
	[tilespmem:s1+$0x0] =	vst v20  }
0xe9: {  	s16 =	sor.u32 s31, s15;
	[tilespmem:s4+$0x0] =	vst v15  }
0xea: {  	[tilespmem:s16+$0x0] =	vst v13  }
0xeb: {  	[tilespmem:s19+$0x0] =	vst v12  }
0xec: {  	s20 =	rddreg [dreg:$0xa];
	[tilespmem:s30+$0x0] =	vst v27  }
0xed: {  	s21 =	sor.u32 s17, s22;
	[tilespmem:s20+$0x0] =	vst v14  }
0xee: {  	[tilespmem:s21+$0x0] =	vst v58  }
0xef: {  	[tilespmem:s5+$0x0] =	vst v11  }
0xf0: {  	[tilespmem:s18+$0x0] =	vst v60  }
0xf1: {  	s0 =	rddreg [dreg:$0x6]  }
0xf2: {  	s22 =	sor.u32 s17, s14;
	[tilespmem:s0+$0x10100] =	vst v18  }
0xf3: {  	s23 =	sor.u32 s17, s15;
	[tilespmem:s22+$0x0] =	vst v63  }
0xf4: {  	[tilespmem:s23+$0x0] =	vst v62  }
0xf5: {  	[tilespmem:s11+$0x0] =	vst v61  }
0xf6: {  	[tilespmem:s10+$0x0] =	vst v56  }
0xf7: {  	s0 =	sld [smem:$0x7F4]  }
0xf8: {  	s25 =	simm.s32 $0x320000;
	s26 =	simm.s32 $0x10100  }
0xf9: {  	s24 =	simm.s32 $0x1000;
	s31 =	simm.s32 $0x0;
	s29 =	sld [smem:$0x7F6]  }
0xfa: {  	[hbm4b:s0+s24] =	stream.strided.scatter [tilespmem:s26], [sflag:$0x2], $0xA000, s25, s24, $0x38;
	[tilespmem:$0x1A100] =	vst v63  }
0xfb: {  	s28 =	simm.s32 $0x0;
	s30 =	simm.s32 $0x5100;
	[smem:$0x7E6] =	sst s31  }
0xfc: {  	[tilespmem:s30], [sflag:$0x4] =	stream.linear.gather [hbm4b:s29+s28], $0x1000, $0x38;
	[tilespmem:$0x1A100] =	vst v63  }
.LBB2_6:
0xfd: {  	s0 =	simm.s32 $0x1  }
0xfe: {  	_ =	swait.ge [sflag:s0], $0xA000  }
0xff: {  	s2 =	simm.s32 $0x0;
	[sflag:s0] =	ssyncset.done $0x0  }
0x100: {  	s3 =	simm.s32 $0x3;
	s19 =	sand.u32 $0xC00, s2;
	[sflag:s0] =	ssyncadd.s32 $0xFFFF6000  }
0x101: {  	s1 =	sand.u32 $0x380, s2;
	s4 =	sand.u32 $0x60, s2;
	_ =	swait.ge [sflag:s3], $0x1000  }
0x102: {  	s2 =	sor.u32 $0x10, s4;
	s0 =	sor.u32 s1, s19;
	[sflag:s3] =	ssyncset.done $0x0  }
0x103: {  	s6 =	sor.u32 s2, s0;
	[sflag:s3] =	ssyncadd.s32 $0xFFFFF000  }
0x104: {  	v11 =	vld [tilespmem:s6+$0x4100];
	_ =	sdelay $0x4  }
0x105: {  	s20 =	simm.s32 $0x100;
	v11 =	vshll.u32 v11, $0x4  }
0x106: {  	s21 =	simm.s32 $0x20;
	s5 =	simm.s32 $0x8;
	s13 =	sor.u32 s4, s0;
	v12 =	vor.u32 v1, v11  }
0x107: {  	s7 =	sand.u32 $0xC00, s20;
	s5 =	sand.u32 $0x380, s5;
	s1 =	sand.u32 $0x60, s21;
	v13 =	vld [tilespmem:s13+$0x4100];
	v14 =	vadd.s32 v8, v11  }
0x108: {  	s9 =	sor.u32 s5, s7;
	s3 =	sor.u32 $0x10, s1;
	v15 =	vadd.s32 v7, v11  }
0x109: {  	s30 =	sor.u32 s3, s9;
	v16 =	vadd.s32 v6, v11  }
0x10a: {  	s19 =	simm.s32 $0x0;
	v25 =	vld [tilespmem:s30+$0x4100];
	v17 =	vadd.s32 v5, v11  }
0x10b: {  	v18 =	vadd.s32 v9, v11;
	v12 =	vld.idx.msk [tilespmem:v12+s19+$0x0], $0xffff  }
0x10c: {  	v13 =	vshll.u32 v13, $0x4;
	v19 =	vadd.s32 v3, v11;
	v14 =	vld.idx.msk [tilespmem:v14+s19+$0x0], $0xffff  }
0x10d: {  	v20 =	vor.u32 v1, v13;
	v15 =	vld.idx.msk [tilespmem:v15+s19+$0x0], $0xffff  }
0x10e: {  	v21 =	vadd.s32 v10, v13;
	v22 =	vld.idx.msk [tilespmem:v16+s19+$0x0], $0xffff  }
0x10f: {  	v16 =	vadd.s32 v2, v11;
	v17 =	vld.idx.msk [tilespmem:v17+s19+$0x0], $0xffff  }
0x110: {  	v23 =	vadd.s32 v4, v11;
	v18 =	vld.idx.msk [tilespmem:v18+s19+$0x0], $0xffff  }
0x111: {  	v19 =	vld.idx.msk [tilespmem:v19+s19+$0x0], $0xffff;
	v11 =	vadd.s32 v10, v11  }
0x112: {  	v30 =	vld.idx.msk [tilespmem:v20+s19+$0x0], $0xffff;
	v20 =	vadd.s32 v9, v13  }
0x113: {  	v24 =	vadd.s32 v2, v13;
	v21 =	vld.idx.msk [tilespmem:v21+s19+$0x0], $0xffff  }
0x114: {  	v26 =	vadd.s32 v3, v13;
	v16 =	vld.idx.msk [tilespmem:v16+s19+$0x0], $0xffff  }
0x115: {  	v27 =	vadd.s32 v4, v13;
	v23 =	vld.idx.msk [tilespmem:v23+s19+$0x0], $0xffff  }
0x116: {  	s5 =	sadd.s32 $0x8100, s0;
	s15 =	sor.u32 s1, s9;
	v29 =	vadd.s32 v5, v13;
	v28 =	vld.idx.msk [tilespmem:v11+s19+$0x0], $0xffff;
	[tilespmem:s6+$0x6100] =	vst v12  }
0x117: {  	s22 =	sadd.s32 $0x7100, s0;
	s23 =	sor.u32 s2, s5;
	v20 =	vld.idx.msk [tilespmem:v20+s19+$0x0], $0xffff;
	v12 =	vadd.s32 v8, v13;
	[dreg:$0x5] =	wrdreg s15  }
0x118: {  	s14 =	sadd.s32 $0x9100, s0;
	s10 =	sor.u32 s2, s22;
	[tilespmem:s23+$0x0] =	vst v19;
	v11 =	vld.idx.msk [tilespmem:v24+s19+$0x0], $0xffff;
	v19 =	vadd.s32 v7, v13;
	v13 =	vadd.s32 v6, v13  }
0x119: {  	s8 =	sadd.s32 $0xA100, s0;
	s16 =	sor.u32 s2, s14;
	v24 =	vld.idx.msk [tilespmem:v26+s19+$0x0], $0xffff;
	[tilespmem:s10+$0x0] =	vst v16  }
0x11a: {  	s24 =	sadd.s32 $0xF100, s0;
	s18 =	sor.u32 s2, s8;
	v27 =	vld.idx.msk [tilespmem:v27+s19+$0x0], $0xffff;
	[tilespmem:s16+$0x0] =	vst v23  }
0x11b: {  	s21 =	sadd.s32 $0xB100, s0;
	s31 =	sor.u32 s2, s24;
	v25 =	vshll.u32 v25, $0x4;
	v29 =	vld.idx.msk [tilespmem:v29+s19+$0x0], $0xffff;
	[tilespmem:s18+$0x0] =	vst v17  }
0x11c: {  	s12 =	sadd.s32 $0xE100, s0;
	s20 =	sor.u32 s2, s21;
	v26 =	vor.u32 v1, v25;
	v16 =	vld.idx.msk [tilespmem:v12+s19+$0x0], $0xffff;
	[tilespmem:s31+$0x0] =	vst v28  }
0x11d: {  	s11 =	sadd.s32 $0xD100, s0;
	s0 =	sadd.s32 $0xC100, s0;
	s17 =	sor.u32 s4, s12;
	v23 =	vld.idx.msk [tilespmem:v13+s19+$0x0], $0xffff;
	[tilespmem:s20+$0x0] =	vst v22  }
0x11e: {  	s25 =	sor.u32 s2, s11;
	s12 =	sor.u32 s2, s12;
	s2 =	sor.u32 s2, s0;
	v22 =	vld.idx.msk [tilespmem:v19+s19+$0x0], $0xffff;
	[tilespmem:s17+$0x0] =	vst v20  }
0x11f: {  	s16 =	sor.u32 s4, s14;
	s14 =	sor.u32 s4, s22;
	s22 =	sadd.s32 $0xF100, s9;
	v17 =	vadd.s32 v8, v25;
	[tilespmem:s2+$0x0] =	vst v15  }
0x120: {  	s26 =	simm.s32 $0x2;
	s7 =	sadd.s32 $0x7100, s9;
	v31 =	vld [tilespmem:s15+$0x4100];
	v28 =	vadd.s32 v7, v25;
	[tilespmem:s25+$0x0] =	vst v14;
	s25 =	sor.u32 s3, s22  }
0x121: {  	v32 =	vadd.s32 v6, v25;
	s23 =	sor.u32 s4, s11;
	s11 =	sadd.s32 $0xE100, s9;
	v19 =	vld.idx.msk [tilespmem:v26+s19+$0x0], $0xffff;
	[dreg:$0xc] =	wrdreg s25  }
0x122: {  	s8 =	sor.u32 s4, s8;
	s5 =	sor.u32 s4, s5;
	v33 =	vadd.s32 v5, v25;
	s31 =	sor.u32 s1, s11;
	[tilespmem:s12+$0x0] =	vst v18  }
0x123: {  	s29 =	sor.u32 s4, s0;
	s6 =	sor.u32 s4, s24;
	v14 =	vadd.s32 v9, v25;
	[dreg:$0x8] =	wrdreg s31  }
0x124: {  	v34 =	vadd.s32 v3, v25;
	s24 =	sor.u32 s3, s7;
	s7 =	sor.u32 s1, s7;
	s10 =	sadd.s32 $0xD100, s9;
	v12 =	vld.idx.msk [tilespmem:v17+s19+$0x0], $0xffff  }
0x125: {  	s28 =	sor.u32 s3, s10;
	s10 =	sor.u32 s1, s10;
	s18 =	sor.u32 s3, s11;
	[tilespmem:s6+$0x0] =	vst v21;
	v13 =	vld.idx.msk [tilespmem:v28+s19+$0x0], $0xffff  }
0x126: {  	s20 =	sadd.s32 $0x9100, s9;
	s17 =	sor.u32 s1, s22;
	s2 =	sadd.s32 $0xA100, s9;
	v18 =	vshll.u32 v31, $0x4;
	v15 =	vld.idx.msk [tilespmem:v32+s19+$0x0], $0xffff;
	[tilespmem:s5+$0x0] =	vst v24  }
0x127: {  	v20 =	vadd.s32 v10, v25;
	s15 =	sor.u32 s3, s20;
	s11 =	sor.u32 s1, s2;
	s2 =	sor.u32 s3, s2;
	v26 =	vadd.s32 v9, v18;
	v21 =	vld.idx.msk [tilespmem:v33+s19+$0x0], $0xffff;
	[tilespmem:s16+$0x0] =	vst v27  }
0x128: {  	s22 =	sadd.s32 $0x8100, s9;
	s25 =	sor.u32 s4, s21;
	s4 =	simm.s32 $0x200;
	v28 =	vor.u32 v1, v18;
	v24 =	vadd.s32 v4, v25;
	v14 =	vld.idx.msk [tilespmem:v14+s19+$0x0], $0xffff;
	[tilespmem:s8+$0x0] =	vst v29  }
0x129: {  	s12 =	simm.s32 $0x40;
	s6 =	sor.u32 s1, s20;
	v27 =	vadd.s32 v10, v18;
	v29 =	vadd.s32 v2, v25;
	v25 =	vld.idx.msk [tilespmem:v34+s19+$0x0], $0xffff;
	[tilespmem:s13+$0x6100] =	vst v30;
	s13 =	simm.s32 $0x10  }
.LBB2_7:
0x12a: {  	[smem:$0x7E4] =	sst s18  }
0x12b: {  	[smem:$0x7E5] =	sst s10  }
0x12c: {  	[smem:$0x7E3] =	sst s28  }
0x12d: {  	[dreg:$0x1e] =	wrdreg s7  }
0x12e: {  	[dreg:$0x1d] =	wrdreg s17  }
0x12f: {  	[dreg:$0x18] =	wrdreg s11;
	s19 =	simm.s32 $0x0  }
0x130: {  	[dreg:$0x14] =	wrdreg s6;
	s5 =	sand.u32 $0xC00, s4;
	s18 =	sand.u32 $0x380, s13;
	v17 =	vld.idx.msk [tilespmem:v28+s19+$0x0], $0xffff  }
0x131: {  	s26 =	sadd.s32 $0x2, s26;
	s0 =	sand.u32 $0x60, s12;
	s31 =	sor.u32 s3, s22;
	v30 =	vld.idx.msk [tilespmem:v20+s19+$0x0], $0xffff  }
0x132: {  	s22 =	sor.u32 s1, s22;
	s4 =	sadd.s32 $0x100, s4;
	s12 =	sadd.s32 $0x20, s12;
	[tilespmem:s25+$0x0] =	vst v23;
	v23 =	vld.idx.msk [tilespmem:v24+s19+$0x0], $0xffff  }
0x133: {  	v31 =	vadd.s32 v5, v18;
	s28 =	sor.u32 s18, s5;
	p0 =	slt.u32 s26, $0xFE;
	s7 =	sor.u32 $0x10, s0;
	v27 =	vld.idx.msk [tilespmem:v27+s19+$0x0], $0xffff;
	[tilespmem:s29+$0x0] =	vst v22  }
0x134: {  	v28 =	vadd.s32 v3, v18;
	s5 =	sadd.s32 $0x7100, s28;
	s8 =	sadd.s32 $0xA100, s28;
	v22 =	vld.idx.msk [tilespmem:v29+s19+$0x0], $0xffff;
	[tilespmem:s23+$0x0] =	vst v16;
	s29 =	sor.u32 s7, s28  }
0x135: {  	s18 =	sadd.s32 $0xD100, s28;
	s17 =	sadd.s32 $0xE100, s28;
	s20 =	sadd.s32 $0xF100, s28;
	v16 =	vadd.s32 v2, v18;
	[tilespmem:s14+$0x0] =	vst v11;
	v24 =	vld [tilespmem:s29+$0x4100]  }
0x136: {  	s25 =	sor.u32 s0, s28;
	s11 =	sor.u32 s7, s18;
	s16 =	sor.u32 s7, s20;
	v29 =	vadd.s32 v4, v18;
	v26 =	vld.idx.msk [tilespmem:v26+s19+$0x0], $0xffff;
	[tilespmem:s30+$0x6100] =	vst v19  }
0x137: {  	s10 =	sor.u32 s0, s20;
	s20 =	sor.u32 s0, s5;
	v32 =	vld [tilespmem:s25+$0x4100];
	v19 =	vadd.s32 v8, v18;
	[tilespmem:s31+$0x0] =	vst v25;
	s31 =	sor.u32 s0, s8  }
0x138: {  	s30 =	sor.u32 s7, s8;
	v25 =	vadd.s32 v7, v18;
	s8 =	sor.u32 s0, s18;
	s18 =	rddreg [dreg:$0x5];
	v31 =	vld.idx.msk [tilespmem:v31+s19+$0x0], $0xffff  }
0x139: {  	s23 =	sor.u32 s7, s5;
	v18 =	vadd.s32 v6, v18;
	v34 =	vld.idx.msk [tilespmem:v28+s19+$0x0], $0xffff;
	s5 =	smov.u32 s18;
	s18 =	smov.u32 s25  }
0x13a: {  	s21 =	sadd.s32 $0x9100, s28;
	[tilespmem:s2+$0x0] =	vst v21;
	s2 =	sadd.s32 $0xC100, s9;
	[dreg:$0x5] =	wrdreg s18;
	v11 =	vld.idx.msk [tilespmem:v16+s19+$0x0], $0xffff  }
0x13b: {  	s18 =	smov.u32 s29;
	s29 =	sor.u32 s1, s2;
	s2 =	sor.u32 s3, s2;
	[tilespmem:s15+$0x0] =	vst v23;
	v36 =	vld.idx.msk [tilespmem:v29+s19+$0x0], $0xffff  }
0x13c: {  	s6 =	sor.u32 s7, s21;
	s14 =	sor.u32 s0, s17;
	[tilespmem:s2+$0x0] =	vst v13;
	s15 =	sld [smem:$0x7E3];
	v33 =	vshll.u32 v24, $0x4;
	v16 =	vld.idx.msk [tilespmem:v19+s19+$0x0], $0xffff  }
0x13d: {  	s17 =	sor.u32 s7, s17;
	s2 =	rddreg [dreg:$0x8];
	[tilespmem:s24+$0x0] =	vst v22;
	s24 =	sadd.s32 $0xB100, s9;
	v22 =	vld.idx.msk [tilespmem:v25+s19+$0x0], $0xffff;
	v24 =	vor.u32 v1, v33  }
0x13e: {  	s25 =	sor.u32 s1, s24;
	s9 =	sor.u32 s3, s24;
	s24 =	rddreg [dreg:$0xc];
	v23 =	vld.idx.msk [tilespmem:v18+s19+$0x0], $0xffff;
	[tilespmem:s2+$0x0] =	vst v26;
	v21 =	vadd.s32 v8, v33  }
0x13f: {  	s3 =	smov.u32 s7;
	s2 =	smov.u32 s30;
	s7 =	rddreg [dreg:$0x1e];
	[tilespmem:s24+$0x0] =	vst v30;
	v29 =	vadd.s32 v7, v33  }
0x140: {  	[tilespmem:s9+$0x0] =	vst v15;
	v15 =	vadd.s32 v6, v33;
	s9 =	smov.u32 s28;
	s28 =	smov.u32 s11;
	s11 =	sld [smem:$0x7E4]  }
0x141: {  	s30 =	smov.u32 s18;
	s18 =	smov.u32 s17;
	s17 =	rddreg [dreg:$0x1d];
	v25 =	vadd.s32 v5, v33;
	[tilespmem:s15+$0x0] =	vst v12  }
0x142: {  	v35 =	vadd.s32 v9, v33;
	s24 =	smov.u32 s23;
	s23 =	smov.u32 s16;
	s15 =	smov.u32 s6;
	v19 =	vld.idx.msk [tilespmem:v24+s19+$0x0], $0xffff  }
0x143: {  	s6 =	smov.u32 s14;
	s14 =	smov.u32 s7;
	v30 =	vadd.s32 v3, v33;
	s16 =	sld [smem:$0x7E5];
	v12 =	vld.idx.msk [tilespmem:v21+s19+$0x0], $0xffff;
	[tilespmem:s11+$0x0] =	vst v14  }
.Ltmp2:
0x144: {  	[tilespmem:s5+$0x6100] =	vst v17;
	s7 =	smov.u32 s20;
	s20 =	rddreg [dreg:$0x14];
	v13 =	vld.idx.msk [tilespmem:v29+s19+$0x0], $0xffff;
	(pc) =	sbr.rel @p0 .LBB2_7-.Ltmp2, $4  }
0x145: {  	s13 =	sadd.s32 $0x8, s13;
	s21 =	sor.u32 s0, s21;
	v18 =	vshll.u32 v32, $0x4;
	[tilespmem:s17+$0x0] =	vst v27;
	[dreg:$0x8] =	wrdreg s6;
	v15 =	vld.idx.msk [tilespmem:v15+s19+$0x0], $0xffff  }
0x146: {  	s1 =	smov.u32 s0;
	v20 =	vadd.s32 v10, v33;
	v28 =	vor.u32 v1, v18;
	[tilespmem:s22+$0x0] =	vst v34;
	s6 =	smov.u32 s21;
	s21 =	rddreg [dreg:$0x18];
	v21 =	vld.idx.msk [tilespmem:v25+s19+$0x0], $0xffff  }
0x147: {  	s17 =	smov.u32 s10;
	s10 =	smov.u32 s8;
	v27 =	vadd.s32 v10, v18;
	v26 =	vadd.s32 v9, v18;
	[dreg:$0xc] =	wrdreg s23;
	[tilespmem:s21+$0x0] =	vst v31;
	v14 =	vld.idx.msk [tilespmem:v35+s19+$0x0], $0xffff  }
0x148: {  	s22 =	sadd.s32 $0x8100, s9;
	s23 =	smov.u32 s16;
	[tilespmem:s20+$0x0] =	vst v36;
	v24 =	vadd.s32 v4, v33;
	s11 =	smov.u32 s31;
	v29 =	vadd.s32 v2, v33;
	v25 =	vld.idx.msk [tilespmem:v30+s19+$0x0], $0xffff  }
0x149: {  	_ =	sdelay $0x2  }
0x14a: {  	s26 =	simm.s32 $0x0;
	[tilespmem:s25+$0x0] =	vst v23  }
0x14b: {  	[tilespmem:s29+$0x0] =	vst v22;
	v22 =	vld.idx.msk [tilespmem:v29+s26+$0x0], $0xffff  }
0x14c: {  	[tilespmem:s23+$0x0] =	vst v16;
	v16 =	vld.idx.msk [tilespmem:v24+s26+$0x0], $0xffff  }
0x14d: {  	v20 =	vld.idx.msk [tilespmem:v20+s26+$0x0], $0xffff;
	[tilespmem:s30+$0x6100] =	vst v19  }
0x14e: {  	v23 =	vadd.s32 v2, v18;
	s0 =	sor.u32 s3, s22;
	[tilespmem:s14+$0x0] =	vst v11  }
0x14f: {  	v24 =	vadd.s32 v3, v18;
	[tilespmem:s0+$0x0] =	vst v25  }
0x150: {  	v17 =	vld.idx.msk [tilespmem:v28+s26+$0x0], $0xffff;
	v28 =	vadd.s32 v4, v18;
	[tilespmem:s24+$0x0] =	vst v22  }
0x151: {  	v11 =	vld.idx.msk [tilespmem:v27+s26+$0x0], $0xffff;
	v27 =	vadd.s32 v5, v18;
	[tilespmem:s15+$0x0] =	vst v16  }
0x152: {  	v19 =	vld.idx.msk [tilespmem:v26+s26+$0x0], $0xffff;
	v26 =	vadd.s32 v8, v18;
	[tilespmem:s2+$0x0] =	vst v21  }
0x153: {  	s23 =	sadd.s32 $0xB100, s9;
	v25 =	vadd.s32 v7, v18;
	v23 =	vld.idx.msk [tilespmem:v23+s26+$0x0], $0xffff;
	s5 =	rddreg [dreg:$0xc]  }
0x154: {  	s4 =	sor.u32 s3, s23;
	v18 =	vadd.s32 v6, v18;
	s24 =	sadd.s32 $0xC100, s9;
	v22 =	vld.idx.msk [tilespmem:v24+s26+$0x0], $0xffff;
	[tilespmem:s5+$0x0] =	vst v20  }
0x155: {  	v16 =	vld.idx.msk [tilespmem:v28+s26+$0x0], $0xffff;
	s25 =	sor.u32 s3, s24;
	[tilespmem:s4+$0x0] =	vst v15  }
0x156: {  	v21 =	vld.idx.msk [tilespmem:v27+s26+$0x0], $0xffff;
	[tilespmem:s25+$0x0] =	vst v13  }
0x157: {  	v20 =	vld.idx.msk [tilespmem:v26+s26+$0x0], $0xffff;
	[tilespmem:s28+$0x0] =	vst v12  }
0x158: {  	v15 =	vld.idx.msk [tilespmem:v25+s26+$0x0], $0xffff;
	s3 =	rddreg [dreg:$0x8];
	[tilespmem:s18+$0x0] =	vst v14  }
0x159: {  	v13 =	vld.idx.msk [tilespmem:v18+s26+$0x0], $0xffff;
	[tilespmem:s3+$0x0] =	vst v19  }
0x15a: {  	s4 =	sor.u32 s1, s22;
	[tilespmem:s17+$0x0] =	vst v11  }
0x15b: {  	[tilespmem:s4+$0x0] =	vst v22  }
0x15c: {  	[tilespmem:s6+$0x0] =	vst v16  }
0x15d: {  	[tilespmem:s11+$0x0] =	vst v21  }
0x15e: {  	s3 =	rddreg [dreg:$0x5]  }
0x15f: {  	s0 =	sor.u32 s1, s23;
	[tilespmem:s3+$0x6100] =	vst v17  }
0x160: {  	s5 =	sor.u32 s1, s24;
	[tilespmem:s0+$0x0] =	vst v13  }
0x161: {  	s0 =	sld [smem:$0x7E6];
	[tilespmem:s5+$0x0] =	vst v15  }
0x162: {  	s8 =	sld [smem:$0x7F7];
	_ =	sdelay $0x1  }
0x163: {  	[tilespmem:s10+$0x0] =	vst v20;
	s6 =	sshll.u32 s0, $0x12  }
0x164: {  	s9 =	rddreg [dreg:$0x2];
	[tilespmem:s7+$0x0] =	vst v23;
	s0 =	sadd.s32 s8, s6  }
0x165: {  	s12 =	simm.s32 $0x6100;
	s13 =	sld [smem:$0x7F8];
	s0 =	sshrl.u32 s0, $0x3  }
0x166: {  	s11 =	simm.s32 $0x320000;
	s10 =	simm.s32 $0x1000;
	s0 =	sadd.s32 s9, s0  }
0x167: {  	[hbm4b:s0+s10] =	stream.strided.scatter [tilespmem:s12], [sflag:$0x1], $0xA000, s11, s10, $0x38;
	[tilespmem:$0x1A100] =	vst v63  }
0x168: {  	s16 =	simm.s32 $0x4100;
	s0 =	sadd.s32 s13, s6  }
0x169: {  	s14 =	rddreg [dreg:$0x0];
	s15 =	simm.s32 $0x0;
	s0 =	sshrl.u32 s0, $0x3  }
0x16a: {  	s17 =	simm.s32 $0x2;
	[smem:$0x7E2] =	sst s6;
	s0 =	sadd.s32 s14, s0  }
0x16b: {  	[tilespmem:s16], [sflag:$0x3] =	stream.linear.gather [hbm4b:s0+s15], $0x1000, $0x38;
	[tilespmem:$0x1A100] =	vst v63  }
0x16c: {  	_ =	swait.ge [sflag:s17], $0xA000  }
0x16d: {  	[sflag:s17] =	ssyncset.done $0x0  }
0x16e: {  	s19 =	sand.u32 $0xC00, s15;
	s18 =	simm.s32 $0x4;
	[sflag:s17] =	ssyncadd.s32 $0xFFFF6000  }
0x16f: {  	s20 =	sand.u32 $0x380, s15;
	s12 =	sand.u32 $0x60, s15;
	_ =	swait.ge [sflag:s18], $0x1000  }
0x170: {  	s2 =	sor.u32 $0x10, s12;
	s0 =	sor.u32 s20, s19;
	[sflag:s18] =	ssyncset.done $0x0  }
0x171: {  	s21 =	sor.u32 s2, s0;
	[sflag:s18] =	ssyncadd.s32 $0xFFFFF000  }
0x172: {  	v11 =	vld [tilespmem:s21+$0x5100];
	_ =	sdelay $0x4  }
0x173: {  	s23 =	simm.s32 $0x20;
	v11 =	vshll.u32 v11, $0x4  }
0x174: {  	s24 =	simm.s32 $0x8;
	s22 =	simm.s32 $0x100;
	s13 =	sor.u32 s12, s0;
	v12 =	vor.u32 v1, v11  }
0x175: {  	s1 =	sand.u32 $0xC00, s22;
	s28 =	sand.u32 $0x60, s23;
	s5 =	sand.u32 $0x380, s24;
	v13 =	vld [tilespmem:s13+$0x5100];
	v14 =	vadd.s32 v8, v11  }
0x176: {  	s3 =	sor.u32 $0x10, s28;
	s10 =	sor.u32 s5, s1;
	v15 =	vadd.s32 v7, v11  }
0x177: {  	s24 =	sor.u32 s3, s10;
	v16 =	vadd.s32 v6, v11  }
0x178: {  	v25 =	vld [tilespmem:s24+$0x5100];
	v17 =	vadd.s32 v5, v11  }
0x179: {  	v18 =	vadd.s32 v9, v11;
	v12 =	vld.idx.msk [tilespmem:v12+s26+$0x0], $0xffff  }
0x17a: {  	v13 =	vshll.u32 v13, $0x4;
	v19 =	vadd.s32 v3, v11;
	v14 =	vld.idx.msk [tilespmem:v14+s26+$0x0], $0xffff  }
0x17b: {  	v20 =	vor.u32 v1, v13;
	v15 =	vld.idx.msk [tilespmem:v15+s26+$0x0], $0xffff  }
0x17c: {  	v21 =	vadd.s32 v10, v13;
	v22 =	vld.idx.msk [tilespmem:v16+s26+$0x0], $0xffff  }
0x17d: {  	v16 =	vadd.s32 v2, v11;
	v17 =	vld.idx.msk [tilespmem:v17+s26+$0x0], $0xffff  }
0x17e: {  	v23 =	vadd.s32 v4, v11;
	v18 =	vld.idx.msk [tilespmem:v18+s26+$0x0], $0xffff  }
0x17f: {  	v27 =	vadd.s32 v4, v13;
	v19 =	vld.idx.msk [tilespmem:v19+s26+$0x0], $0xffff  }
0x180: {  	v11 =	vadd.s32 v10, v11;
	v30 =	vld.idx.msk [tilespmem:v20+s26+$0x0], $0xffff  }
0x181: {  	v29 =	vadd.s32 v5, v13;
	v21 =	vld.idx.msk [tilespmem:v21+s26+$0x0], $0xffff  }
0x182: {  	v20 =	vadd.s32 v9, v13;
	v16 =	vld.idx.msk [tilespmem:v16+s26+$0x0], $0xffff  }
0x183: {  	v24 =	vadd.s32 v2, v13;
	v23 =	vld.idx.msk [tilespmem:v23+s26+$0x0], $0xffff  }
0x184: {  	s1 =	sadd.s32 $0x12100, s0;
	v26 =	vadd.s32 v3, v13;
	v27 =	vld.idx.msk [tilespmem:v27+s26+$0x0], $0xffff  }
0x185: {  	s5 =	sadd.s32 $0x11100, s0;
	s25 =	sor.u32 s2, s1;
	v28 =	vld.idx.msk [tilespmem:v11+s26+$0x0], $0xffff;
	[tilespmem:s21+$0x10100] =	vst v12;
	v12 =	vadd.s32 v8, v13  }
0x186: {  	s30 =	sor.u32 s28, s10;
	s19 =	sadd.s32 $0x13100, s0;
	s8 =	sor.u32 s2, s5;
	v29 =	vld.idx.msk [tilespmem:v29+s26+$0x0], $0xffff;
	[tilespmem:s25+$0x0] =	vst v19;
	v19 =	vadd.s32 v7, v13;
	v13 =	vadd.s32 v6, v13  }
0x187: {  	s6 =	sadd.s32 $0x14100, s0;
	s9 =	sadd.s32 $0x17100, s0;
	v20 =	vld.idx.msk [tilespmem:v20+s26+$0x0], $0xffff;
	s21 =	sor.u32 s2, s19;
	[tilespmem:s8+$0x0] =	vst v16  }
0x188: {  	s7 =	sadd.s32 $0x18100, s0;
	s20 =	sadd.s32 $0x19100, s0;
	s23 =	sor.u32 s2, s6;
	v11 =	vld.idx.msk [tilespmem:v24+s26+$0x0], $0xffff;
	[tilespmem:s21+$0x0] =	vst v23  }
0x189: {  	s16 =	sor.u32 s2, s9;
	s22 =	sor.u32 s2, s20;
	v24 =	vld.idx.msk [tilespmem:v26+s26+$0x0], $0xffff;
	s21 =	sadd.s32 $0x15100, s0;
	[tilespmem:s23+$0x0] =	vst v17  }
0x18a: {  	s14 =	sor.u32 s12, s19;
	s4 =	sor.u32 s12, s20;
	v25 =	vshll.u32 v25, $0x4;
	v16 =	vld.idx.msk [tilespmem:v12+s26+$0x0], $0xffff;
	s25 =	sor.u32 s2, s21;
	[tilespmem:s22+$0x0] =	vst v28  }
0x18b: {  	s11 =	sor.u32 s2, s7;
	s17 =	sor.u32 s12, s7;
	v26 =	vor.u32 v1, v25;
	s0 =	sadd.s32 $0x16100, s0;
	v23 =	vld.idx.msk [tilespmem:v13+s26+$0x0], $0xffff;
	[tilespmem:s25+$0x0] =	vst v22  }
0x18c: {  	s6 =	sor.u32 s12, s6;
	s7 =	sadd.s32 $0x19100, s10;
	v17 =	vadd.s32 v8, v25;
	s2 =	sor.u32 s2, s0;
	v22 =	vld.idx.msk [tilespmem:v19+s26+$0x0], $0xffff;
	[tilespmem:s17+$0x0] =	vst v20  }
0x18d: {  	s20 =	sadd.s32 $0x13100, s10;
	s1 =	sor.u32 s12, s1;
	s18 =	sor.u32 s28, s7;
	v28 =	vadd.s32 v7, v25;
	[tilespmem:s2+$0x0] =	vst v15  }
0x18e: {  	v31 =	vld [tilespmem:s30+$0x5100];
	v32 =	vadd.s32 v6, v25;
	s19 =	simm.s32 $0x2;
	s8 =	sadd.s32 $0x14100, s10;
	s29 =	sor.u32 s12, s21;
	[tilespmem:s16+$0x0] =	vst v14  }
0x18f: {  	v33 =	vadd.s32 v5, v25;
	s21 =	sor.u32 s12, s0;
	s22 =	sor.u32 s12, s5;
	s17 =	sor.u32 s3, s7;
	[tilespmem:s11+$0x0] =	vst v18  }
0x190: {  	s5 =	sadd.s32 $0x11100, s10;
	v19 =	vld.idx.msk [tilespmem:v26+s26+$0x0], $0xffff;
	s16 =	sadd.s32 $0x18100, s10;
	v14 =	vadd.s32 v9, v25;
	[dreg:$0xf] =	wrdreg s17  }
0x191: {  	v34 =	vadd.s32 v3, v25;
	s25 =	sor.u32 s12, s9;
	s15 =	sor.u32 s3, s5;
	s23 =	sor.u32 s28, s16;
	v12 =	vld.idx.msk [tilespmem:v17+s26+$0x0], $0xffff;
	[tilespmem:s4+$0x0] =	vst v21  }
0x192: {  	s9 =	sadd.s32 $0x17100, s10;
	s7 =	smov.u32 s3;
	v13 =	vld.idx.msk [tilespmem:v28+s26+$0x0], $0xffff;
	[dreg:$0x9] =	wrdreg s23  }
0x193: {  	s12 =	simm.s32 $0x200;
	s31 =	sor.u32 s3, s9;
	s2 =	sor.u32 s3, s20;
	v18 =	vshll.u32 v31, $0x4;
	[tilespmem:s1+$0x0] =	vst v24;
	v15 =	vld.idx.msk [tilespmem:v32+s26+$0x0], $0xffff  }
0x194: {  	v20 =	vadd.s32 v10, v25;
	s9 =	sor.u32 s28, s9;
	s11 =	sor.u32 s28, s20;
	s20 =	sor.u32 s3, s16;
	v26 =	vadd.s32 v9, v18;
	v21 =	vld.idx.msk [tilespmem:v33+s26+$0x0], $0xffff;
	[tilespmem:s14+$0x0] =	vst v27  }
0x195: {  	s16 =	sor.u32 s28, s5;
	s17 =	sor.u32 s28, s8;
	s4 =	sor.u32 s3, s8;
	v28 =	vor.u32 v1, v18;
	v24 =	vadd.s32 v4, v25;
	v14 =	vld.idx.msk [tilespmem:v14+s26+$0x0], $0xffff;
	[tilespmem:s6+$0x0] =	vst v29  }
0x196: {  	s23 =	sadd.s32 $0x12100, s10;
	v27 =	vadd.s32 v10, v18;
	s14 =	simm.s32 $0x10;
	v29 =	vadd.s32 v2, v25;
	v25 =	vld.idx.msk [tilespmem:v34+s26+$0x0], $0xffff;
	[tilespmem:s13+$0x10100] =	vst v30;
	s13 =	simm.s32 $0x40  }
.LBB2_9:
0x197: {  	[smem:$0x7DE] =	sst s16  }
0x198: {  	[smem:$0x7E0] =	sst s18  }
0x199: {  	[smem:$0x7DF] =	sst s20  }
0x19a: {  	[smem:$0x7DD] =	sst s31  }
0x19b: {  	[dreg:$0x1b] =	wrdreg s11  }
0x19c: {  	[dreg:$0x1a] =	wrdreg s9  }
0x19d: {  	[dreg:$0x19] =	wrdreg s17  }
0x19e: {  	s0 =	sand.u32 $0xC00, s12;
	s5 =	sand.u32 $0x380, s14;
	s3 =	simm.s32 $0x0  }
0x19f: {  	s1 =	sand.u32 $0x60, s13;
	s26 =	smov.u32 s24;
	v17 =	vld.idx.msk [tilespmem:v28+s3+$0x0], $0xffff;
	[tilespmem:s29+$0x0] =	vst v23;
	s31 =	sor.u32 s5, s0  }
0x1a0: {  	s24 =	smov.u32 s30;
	s9 =	sor.u32 $0x10, s1;
	v27 =	vld.idx.msk [tilespmem:v27+s3+$0x0], $0xffff;
	[tilespmem:s21+$0x0] =	vst v22;
	s21 =	sor.u32 s1, s31  }
0x1a1: {  	s5 =	sadd.s32 $0x11100, s31;
	s8 =	sadd.s32 $0x14100, s31;
	s29 =	sor.u32 s9, s31  }
0x1a2: {  	v23 =	vld.idx.msk [tilespmem:v24+s3+$0x0], $0xffff;
	s30 =	sadd.s32 $0x17100, s31;
	s0 =	sadd.s32 $0x18100, s31;
	s6 =	sadd.s32 $0x19100, s31  }
0x1a3: {  	v30 =	vld.idx.msk [tilespmem:v20+s3+$0x0], $0xffff;
	[tilespmem:s25+$0x0] =	vst v16;
	s11 =	sadd.s32 $0x13100, s31;
	s25 =	sor.u32 s9, s5;
	s16 =	sor.u32 s9, s30  }
0x1a4: {  	v22 =	vld.idx.msk [tilespmem:v29+s3+$0x0], $0xffff;
	[tilespmem:s22+$0x0] =	vst v11;
	s17 =	sor.u32 s9, s6;
	s22 =	sor.u32 s1, s0;
	s18 =	sor.u32 s9, s11  }
0x1a5: {  	v31 =	vadd.s32 v5, v18;
	v24 =	vld [tilespmem:s29+$0x5100];
	[tilespmem:s26+$0x10100] =	vst v19;
	s26 =	sor.u32 s7, s23;
	s11 =	sor.u32 s1, s11;
	s20 =	sor.u32 s9, s8  }
0x1a6: {  	v28 =	vadd.s32 v3, v18;
	[smem:$0x7E1] =	sst s11;
	s11 =	sor.u32 s1, s6;
	s6 =	sor.u32 s9, s0  }
0x1a7: {  	v16 =	vadd.s32 v2, v18;
	[tilespmem:s26+$0x0] =	vst v25;
	s0 =	sor.u32 s1, s8;
	s26 =	sor.u32 s1, s5;
	s8 =	sor.u32 s1, s30  }
0x1a8: {  	v29 =	vadd.s32 v4, v18;
	v26 =	vld.idx.msk [tilespmem:v26+s3+$0x0], $0xffff;
	s5 =	smov.u32 s24;
	[tilespmem:s4+$0x0] =	vst v21;
	s30 =	smov.u32 s21;
	s24 =	smov.u32 s29  }
0x1a9: {  	v32 =	vld [tilespmem:s21+$0x5100];
	v19 =	vadd.s32 v8, v18;
	s21 =	rddreg [dreg:$0xf];
	s4 =	smov.u32 s20;
	[tilespmem:s2+$0x0] =	vst v23;
	s2 =	sadd.s32 $0x15100, s10  }
0x1aa: {  	v25 =	vadd.s32 v7, v18;
	s20 =	sld [smem:$0x7DE];
	v31 =	vld.idx.msk [tilespmem:v31+s3+$0x0], $0xffff;
	[tilespmem:s15+$0x0] =	vst v22;
	s29 =	sor.u32 s28, s2;
	s15 =	sadd.s32 $0x16100, s10  }
0x1ab: {  	v18 =	vadd.s32 v6, v18;
	v34 =	vld.idx.msk [tilespmem:v28+s3+$0x0], $0xffff;
	s2 =	sor.u32 s7, s2;
	s10 =	smov.u32 s31;
	s31 =	smov.u32 s16;
	v33 =	vshll.u32 v24, $0x4  }
0x1ac: {  	v11 =	vld.idx.msk [tilespmem:v16+s3+$0x0], $0xffff;
	s16 =	smov.u32 s17;
	s17 =	rddreg [dreg:$0x9];
	s7 =	sor.u32 s7, s15;
	v24 =	vor.u32 v1, v33  }
0x1ad: {  	v36 =	vld.idx.msk [tilespmem:v29+s3+$0x0], $0xffff;
	v21 =	vadd.s32 v8, v33;
	[tilespmem:s7+$0x0] =	vst v13;
	s7 =	smov.u32 s9;
	s9 =	sld [smem:$0x7DD]  }
0x1ae: {  	[tilespmem:s21+$0x0] =	vst v30;
	v16 =	vld.idx.msk [tilespmem:v19+s3+$0x0], $0xffff;
	s21 =	sor.u32 s28, s15;
	s15 =	smov.u32 s25;
	[dreg:$0xf] =	wrdreg s16;
	v29 =	vadd.s32 v7, v33  }
0x1af: {  	[tilespmem:s2+$0x0] =	vst v15;
	s2 =	smov.u32 s18;
	s18 =	smov.u32 s22;
	s25 =	sld [smem:$0x7DF];
	v15 =	vadd.s32 v6, v33;
	v22 =	vld.idx.msk [tilespmem:v25+s3+$0x0], $0xffff  }
0x1b0: {  	s22 =	smov.u32 s20;
	s20 =	smov.u32 s6;
	s6 =	rddreg [dreg:$0x1a];
	v25 =	vadd.s32 v5, v33;
	v23 =	vld.idx.msk [tilespmem:v18+s3+$0x0], $0xffff;
	[tilespmem:s9+$0x0] =	vst v12  }
0x1b1: {  	s19 =	sadd.s32 $0x2, s19;
	s16 =	smov.u32 s26;
	s26 =	rddreg [dreg:$0x19];
	v35 =	vadd.s32 v9, v33;
	[tilespmem:s17+$0x0] =	vst v26;
	v19 =	vld.idx.msk [tilespmem:v24+s3+$0x0], $0xffff  }
0x1b2: {  	p0 =	slt.u32 s19, $0xFE;
	s23 =	sor.u32 s28, s23;
	[dreg:$0x9] =	wrdreg s18;
	v30 =	vadd.s32 v3, v33;
	v12 =	vld.idx.msk [tilespmem:v21+s3+$0x0], $0xffff;
	[tilespmem:s25+$0x0] =	vst v14  }
.Ltmp3:
0x1b3: {  	[tilespmem:s23+$0x0] =	vst v34;
	s23 =	sld [smem:$0x7E1];
	v13 =	vld.idx.msk [tilespmem:v29+s3+$0x0], $0xffff;
	(pc) =	sbr.rel @p0 .LBB2_9-.Ltmp3, $4  }
0x1b4: {  	s12 =	sadd.s32 $0x100, s12;
	s13 =	sadd.s32 $0x20, s13;
	v18 =	vshll.u32 v32, $0x4;
	[tilespmem:s5+$0x10100] =	vst v17;
	s9 =	sld [smem:$0x7E0];
	v15 =	vld.idx.msk [tilespmem:v15+s3+$0x0], $0xffff  }
0x1b5: {  	s14 =	sadd.s32 $0x8, s14;
	s28 =	smov.u32 s1;
	v20 =	vadd.s32 v10, v33;
	s17 =	rddreg [dreg:$0x1b];
	v28 =	vor.u32 v1, v18;
	[tilespmem:s26+$0x0] =	vst v31;
	v21 =	vld.idx.msk [tilespmem:v25+s3+$0x0], $0xffff  }
0x1b6: {  	s18 =	smov.u32 s11;
	v26 =	vadd.s32 v9, v18;
	[tilespmem:s17+$0x0] =	vst v36;
	s17 =	smov.u32 s0;
	v24 =	vadd.s32 v4, v33;
	s25 =	smov.u32 s6;
	v14 =	vld.idx.msk [tilespmem:v35+s3+$0x0], $0xffff  }
0x1b7: {  	s11 =	smov.u32 s23;
	s23 =	sadd.s32 $0x12100, s10;
	[tilespmem:s9+$0x0] =	vst v27;
	s9 =	smov.u32 s8;
	v27 =	vadd.s32 v10, v18;
	v29 =	vadd.s32 v2, v33;
	v25 =	vld.idx.msk [tilespmem:v30+s3+$0x0], $0xffff  }
0x1b8: {  	_ =	sdelay $0x2  }
0x1b9: {  	s5 =	simm.s32 $0x0  }
0x1ba: {  	[tilespmem:s29+$0x0] =	vst v23;
	v49 =	vld.idx.msk [tilespmem:v29+s5+$0x0], $0xffff  }
0x1bb: {  	[tilespmem:s21+$0x0] =	vst v22;
	v51 =	vld.idx.msk [tilespmem:v24+s5+$0x0], $0xffff  }
0x1bc: {  	v20 =	vld.idx.msk [tilespmem:v20+s5+$0x0], $0xffff;
	[tilespmem:s24+$0x10100] =	vst v19  }
0x1bd: {  	[tilespmem:s25+$0x0] =	vst v16  }
0x1be: {  	v50 =	vadd.s32 v2, v18;
	s0 =	sor.u32 s7, s23;
	[tilespmem:s22+$0x0] =	vst v11  }
0x1bf: {  	v52 =	vadd.s32 v3, v18;
	[tilespmem:s0+$0x0] =	vst v25  }
0x1c0: {  	v53 =	vadd.s32 v5, v18;
	v17 =	vld.idx.msk [tilespmem:v28+s5+$0x0], $0xffff;
	[tilespmem:s15+$0x0] =	vst v49  }
0x1c1: {  	v55 =	vadd.s32 v8, v18;
	v27 =	vld.idx.msk [tilespmem:v27+s5+$0x0], $0xffff;
	[tilespmem:s2+$0x0] =	vst v51  }
0x1c2: {  	v54 =	vld.idx.msk [tilespmem:v26+s5+$0x0], $0xffff;
	v11 =	vadd.s32 v4, v18;
	[tilespmem:s4+$0x0] =	vst v21  }
0x1c3: {  	v57 =	vadd.s32 v7, v18;
	s22 =	sadd.s32 $0x15100, s10;
	v56 =	vld.idx.msk [tilespmem:v50+s5+$0x0], $0xffff;
	s2 =	rddreg [dreg:$0xf]  }
0x1c4: {  	v59 =	vadd.s32 v6, v18;
	s1 =	sadd.s32 $0x16100, s10;
	s24 =	sor.u32 s7, s22;
	v58 =	vld.idx.msk [tilespmem:v52+s5+$0x0], $0xffff;
	[tilespmem:s2+$0x0] =	vst v20  }
0x1c5: {  	s25 =	sor.u32 s7, s1;
	v60 =	vld.idx.msk [tilespmem:v53+s5+$0x0], $0xffff;
	[tilespmem:s24+$0x0] =	vst v15  }
0x1c6: {  	v61 =	vld.idx.msk [tilespmem:v55+s5+$0x0], $0xffff;
	[tilespmem:s25+$0x0] =	vst v13  }
0x1c7: {  	v11 =	vld.idx.msk [tilespmem:v11+s5+$0x0], $0xffff;
	[tilespmem:s31+$0x0] =	vst v12  }
0x1c8: {  	v62 =	vld.idx.msk [tilespmem:v57+s5+$0x0], $0xffff;
	s2 =	rddreg [dreg:$0x9];
	[tilespmem:s20+$0x0] =	vst v14  }
0x1c9: {  	v63 =	vld.idx.msk [tilespmem:v59+s5+$0x0], $0xffff;
	[tilespmem:s2+$0x0] =	vst v54  }
0x1ca: {  	s26 =	sor.u32 s28, s23;
	[tilespmem:s18+$0x0] =	vst v27  }
0x1cb: {  	[tilespmem:s26+$0x0] =	vst v58  }
0x1cc: {  	[tilespmem:s11+$0x0] =	vst v11  }
0x1cd: {  	[tilespmem:s17+$0x0] =	vst v60  }
0x1ce: {  	s0 =	sor.u32 s28, s22;
	[tilespmem:s30+$0x10100] =	vst v17  }
0x1cf: {  	s1 =	sor.u32 s28, s1;
	[tilespmem:s0+$0x0] =	vst v63  }
0x1d0: {  	[tilespmem:s1+$0x0] =	vst v62  }
0x1d1: {  	s0 =	sld [smem:$0x7F9]  }
0x1d2: {  	s5 =	sld [smem:$0x7E2];
	[tilespmem:s9+$0x0] =	vst v61  }
0x1d3: {  	[tilespmem:s16+$0x0] =	vst v56  }
0x1d4: {  	s2 =	sld [smem:$0x7E6];
	_ =	sdelay $0x2  }
0x1d5: {  	p0 =	seq.s32 s2, $0xA  }
.Ltmp4:
0x1d6: {  	_ = 	snop;
	(pc) =	sbr.rel @p0 .LBB2_12-.Ltmp4, $4  }
0x1d7: {  	s3 =	simm.s32 $0x0;
	s0 =	sadd.s32 s0, s5  }
0x1d8: {  	s29 =	simm.s32 $0x1000;
	s28 =	rddreg [dreg:$0x2];
	s0 =	sshrl.u32 s0, $0x3  }
0x1d9: {  	s31 =	simm.s32 $0x10100;
	s30 =	simm.s32 $0x320000;
	s0 =	sadd.s32 s28, s0  }
0x1da: {  	[hbm4b:s0+s29] =	stream.strided.scatter [tilespmem:s31], [sflag:$0x2], $0xA000, s30, s29, $0x38;
	[tilespmem:$0x1A100] =	vst v63  }
0x1db: {  	s0 =	sld [smem:$0x7FA];
	_ =	sdelay $0x1  }
.Ltmp5:
0x1dc: {  	_ = 	snop;
	(pc) =	sbr.rel .LBB2_6-.Ltmp5, $4  }
0x1dd: {  	s0 =	sadd.s32 s0, s5  }
0x1de: {  	s1 =	rddreg [dreg:$0x0];
	s2 =	sadd.s32 $0x1, s2;
	s0 =	sshrl.u32 s0, $0x3  }
0x1df: {  	s31 =	simm.s32 $0x5100;
	[smem:$0x7E6] =	sst s2;
	s0 =	sadd.s32 s1, s0  }
0x1e0: {  	[tilespmem:s31], [sflag:$0x4] =	stream.linear.gather [hbm4b:s0+s3], $0x1000, $0x38;
	[tilespmem:$0x1A100] =	vst v63  }
.LBB2_12:
0x1e1: {  	s0 =	simm.s32 $0x1  }
0x1e2: {  	_ =	swait.ge [sflag:s0], $0xA000  }
0x1e3: {  	s21 =	simm.s32 $0x0;
	[sflag:s0] =	ssyncset.done $0x0  }
0x1e4: {  	s3 =	simm.s32 $0x3;
	s1 =	sand.u32 $0xC00, s21;
	[sflag:s0] =	ssyncadd.s32 $0xFFFF6000  }
0x1e5: {  	s2 =	sand.u32 $0x380, s21;
	s4 =	sand.u32 $0x60, s21;
	_ =	swait.ge [sflag:s3], $0x1000  }
0x1e6: {  	s6 =	sor.u32 s2, s1;
	s2 =	sor.u32 $0x10, s4;
	[sflag:s3] =	ssyncset.done $0x0  }
0x1e7: {  	s5 =	sor.u32 s2, s6;
	[sflag:s3] =	ssyncadd.s32 $0xFFFFF000  }
0x1e8: {  	v11 =	vld [tilespmem:s5+$0x4100];
	_ =	sdelay $0x4  }
0x1e9: {  	s22 =	simm.s32 $0x100;
	v11 =	vshll.u32 v11, $0x4  }
0x1ea: {  	s23 =	simm.s32 $0x20;
	s24 =	simm.s32 $0x8;
	s13 =	sor.u32 s4, s6;
	v12 =	vor.u32 v1, v11  }
0x1eb: {  	s7 =	sand.u32 $0xC00, s22;
	s0 =	sand.u32 $0x60, s23;
	s3 =	sand.u32 $0x380, s24;
	v13 =	vld [tilespmem:s13+$0x4100];
	v14 =	vadd.s32 v8, v11  }
0x1ec: {  	s1 =	sor.u32 $0x10, s0;
	s7 =	sor.u32 s3, s7;
	v15 =	vadd.s32 v7, v11  }
0x1ed: {  	s30 =	sor.u32 s1, s7;
	v16 =	vadd.s32 v6, v11  }
0x1ee: {  	s28 =	simm.s32 $0x0;
	v25 =	vld [tilespmem:s30+$0x4100];
	v17 =	vadd.s32 v5, v11  }
0x1ef: {  	v18 =	vadd.s32 v9, v11;
	v12 =	vld.idx.msk [tilespmem:v12+s28+$0x0], $0xffff  }
0x1f0: {  	v13 =	vshll.u32 v13, $0x4;
	v19 =	vadd.s32 v3, v11;
	v14 =	vld.idx.msk [tilespmem:v14+s28+$0x0], $0xffff  }
0x1f1: {  	v20 =	vor.u32 v1, v13;
	v15 =	vld.idx.msk [tilespmem:v15+s28+$0x0], $0xffff  }
0x1f2: {  	v21 =	vadd.s32 v10, v13;
	v22 =	vld.idx.msk [tilespmem:v16+s28+$0x0], $0xffff  }
0x1f3: {  	v16 =	vadd.s32 v2, v11;
	v17 =	vld.idx.msk [tilespmem:v17+s28+$0x0], $0xffff  }
0x1f4: {  	v23 =	vadd.s32 v4, v11;
	v18 =	vld.idx.msk [tilespmem:v18+s28+$0x0], $0xffff  }
0x1f5: {  	v19 =	vld.idx.msk [tilespmem:v19+s28+$0x0], $0xffff;
	v11 =	vadd.s32 v10, v11  }
0x1f6: {  	v30 =	vld.idx.msk [tilespmem:v20+s28+$0x0], $0xffff;
	v20 =	vadd.s32 v9, v13  }
0x1f7: {  	v24 =	vadd.s32 v2, v13;
	v21 =	vld.idx.msk [tilespmem:v21+s28+$0x0], $0xffff  }
0x1f8: {  	v26 =	vadd.s32 v3, v13;
	v16 =	vld.idx.msk [tilespmem:v16+s28+$0x0], $0xffff  }
0x1f9: {  	v27 =	vadd.s32 v4, v13;
	v23 =	vld.idx.msk [tilespmem:v23+s28+$0x0], $0xffff  }
0x1fa: {  	s8 =	sadd.s32 $0x7100, s6;
	s3 =	sadd.s32 $0x8100, s6;
	s15 =	sor.u32 s0, s7;
	v29 =	vadd.s32 v5, v13;
	v28 =	vld.idx.msk [tilespmem:v11+s28+$0x0], $0xffff;
	[tilespmem:s5+$0x6100] =	vst v12  }
0x1fb: {  	s9 =	sadd.s32 $0xA100, s6;
	s25 =	sor.u32 s2, s3;
	v20 =	vld.idx.msk [tilespmem:v20+s28+$0x0], $0xffff;
	v12 =	vadd.s32 v8, v13;
	[dreg:$0x7] =	wrdreg s15  }
0x1fc: {  	s11 =	sadd.s32 $0xD100, s6;
	s14 =	sadd.s32 $0x9100, s6;
	s10 =	sor.u32 s2, s8;
	[tilespmem:s25+$0x0] =	vst v19;
	v11 =	vld.idx.msk [tilespmem:v24+s28+$0x0], $0xffff;
	v19 =	vadd.s32 v7, v13;
	v13 =	vadd.s32 v6, v13  }
0x1fd: {  	s12 =	sadd.s32 $0xE100, s6;
	s26 =	sadd.s32 $0xF100, s6;
	s19 =	sor.u32 s2, s14;
	v24 =	vld.idx.msk [tilespmem:v26+s28+$0x0], $0xffff;
	[tilespmem:s10+$0x0] =	vst v16  }
0x1fe: {  	s22 =	sadd.s32 $0xB100, s6;
	s16 =	sor.u32 s2, s11;
	s18 =	sor.u32 s2, s9;
	v27 =	vld.idx.msk [tilespmem:v27+s28+$0x0], $0xffff;
	[tilespmem:s19+$0x0] =	vst v23  }
0x1ff: {  	s20 =	sor.u32 s2, s26;
	s17 =	sor.u32 s4, s12;
	s21 =	sor.u32 s4, s14;
	v25 =	vshll.u32 v25, $0x4;
	v29 =	vld.idx.msk [tilespmem:v29+s28+$0x0], $0xffff;
	[tilespmem:s18+$0x0] =	vst v17  }
0x200: {  	s12 =	sor.u32 s2, s12;
	s23 =	sor.u32 s2, s22;
	s6 =	sadd.s32 $0xC100, s6;
	v26 =	vor.u32 v1, v25;
	v16 =	vld.idx.msk [tilespmem:v12+s28+$0x0], $0xffff;
	[tilespmem:s20+$0x0] =	vst v28  }
0x201: {  	s9 =	sor.u32 s4, s9;
	s14 =	sor.u32 s4, s8;
	s2 =	sor.u32 s2, s6;
	v17 =	vadd.s32 v8, v25;
	v23 =	vld.idx.msk [tilespmem:v13+s28+$0x0], $0xffff;
	[tilespmem:s23+$0x0] =	vst v22  }
0x202: {  	s8 =	sadd.s32 $0x7100, s7;
	s24 =	sadd.s32 $0xF100, s7;
	s3 =	sor.u32 s4, s3;
	v28 =	vadd.s32 v7, v25;
	v22 =	vld.idx.msk [tilespmem:v19+s28+$0x0], $0xffff;
	[tilespmem:s17+$0x0] =	vst v20  }
0x203: {  	v32 =	vadd.s32 v6, v25;
	s5 =	sor.u32 s4, s26;
	v31 =	vld [tilespmem:s15+$0x4100];
	s15 =	sor.u32 s1, s8;
	s25 =	sor.u32 s1, s24;
	[tilespmem:s2+$0x0] =	vst v15  }
0x204: {  	v33 =	vadd.s32 v5, v25;
	s10 =	sadd.s32 $0xA100, s7;
	s19 =	simm.s32 $0x2;
	s20 =	sadd.s32 $0x9100, s7;
	[tilespmem:s16+$0x0] =	vst v14  }
0x205: {  	s23 =	sor.u32 s4, s11;
	s11 =	sadd.s32 $0xD100, s7;
	v19 =	vld.idx.msk [tilespmem:v26+s28+$0x0], $0xffff;
	v14 =	vadd.s32 v9, v25;
	[dreg:$0xe] =	wrdreg s25  }
0x206: {  	s17 =	smov.u32 s0;
	s26 =	sor.u32 s1, s11;
	s2 =	sor.u32 s1, s20;
	[tilespmem:s12+$0x0] =	vst v18;
	v18 =	vadd.s32 v3, v25;
	v12 =	vld.idx.msk [tilespmem:v17+s28+$0x0], $0xffff  }
0x207: {  	s20 =	sor.u32 s17, s20;
	s18 =	sor.u32 s17, s24;
	s16 =	sadd.s32 $0xE100, s7;
	[tilespmem:s5+$0x0] =	vst v21;
	v13 =	vld.idx.msk [tilespmem:v28+s28+$0x0], $0xffff  }
0x208: {  	s24 =	sor.u32 s1, s10;
	s8 =	sor.u32 s17, s8;
	s29 =	sor.u32 s17, s16;
	v15 =	vld.idx.msk [tilespmem:v32+s28+$0x0], $0xffff;
	[tilespmem:s3+$0x0] =	vst v24  }
0x209: {  	v20 =	vadd.s32 v10, v25;
	s31 =	sor.u32 s1, s16;
	s16 =	sor.u32 s17, s10;
	s10 =	sor.u32 s17, s11;
	v17 =	vshll.u32 v31, $0x4;
	v21 =	vld.idx.msk [tilespmem:v33+s28+$0x0], $0xffff;
	v24 =	vadd.s32 v4, v25;
	[tilespmem:s21+$0x0] =	vst v27  }
0x20a: {  	s25 =	sor.u32 s4, s6;
	s12 =	simm.s32 $0x40;
	v28 =	vor.u32 v1, v17;
	v26 =	vadd.s32 v9, v17;
	s21 =	sor.u32 s4, s22;
	v14 =	vld.idx.msk [tilespmem:v14+s28+$0x0], $0xffff;
	[tilespmem:s9+$0x0] =	vst v29  }
0x20b: {  	v27 =	vadd.s32 v10, v17;
	s22 =	sadd.s32 $0x8100, s7;
	s4 =	simm.s32 $0x200;
	v29 =	vadd.s32 v2, v25;
	[tilespmem:s13+$0x6100] =	vst v30;
	s13 =	simm.s32 $0x10;
	v25 =	vld.idx.msk [tilespmem:v18+s28+$0x0], $0xffff  }
.LBB2_13:
0x20c: {  	[smem:$0x7D8] =	sst s26  }
0x20d: {  	[smem:$0x7D9] =	sst s10  }
0x20e: {  	[dreg:$0x1c] =	wrdreg s29  }
0x20f: {  	[dreg:$0x16] =	wrdreg s31  }
0x210: {  	[dreg:$0x15] =	wrdreg s16  }
0x211: {  	s3 =	sand.u32 $0xC00, s4;
	s5 =	sand.u32 $0x380, s13;
	s0 =	simm.s32 $0x0  }
0x212: {  	s31 =	sand.u32 $0x60, s12;
	s26 =	smov.u32 s17;
	v18 =	vld.idx.msk [tilespmem:v28+s0+$0x0], $0xffff;
	s29 =	sor.u32 s5, s3  }
0x213: {  	[tilespmem:s21+$0x0] =	vst v23;
	s3 =	sor.u32 $0x10, s31;
	v23 =	vld.idx.msk [tilespmem:v24+s0+$0x0], $0xffff;
	s21 =	sor.u32 s31, s29;
	s5 =	sadd.s32 $0x7100, s29  }
0x214: {  	v27 =	vld.idx.msk [tilespmem:v27+s0+$0x0], $0xffff;
	[tilespmem:s25+$0x0] =	vst v22;
	s6 =	sadd.s32 $0xA100, s29;
	s25 =	sor.u32 s3, s29;
	s17 =	sadd.s32 $0xD100, s29  }
0x215: {  	v30 =	vld.idx.msk [tilespmem:v20+s0+$0x0], $0xffff;
	[tilespmem:s23+$0x0] =	vst v16;
	s16 =	sadd.s32 $0xE100, s29;
	s28 =	sadd.s32 $0x9100, s29;
	s23 =	smov.u32 s8  }
0x216: {  	v22 =	vld.idx.msk [tilespmem:v29+s0+$0x0], $0xffff;
	[tilespmem:s14+$0x0] =	vst v11;
	s9 =	sor.u32 s3, s5;
	s10 =	sor.u32 s3, s17;
	s14 =	sor.u32 s31, s16  }
0x217: {  	v24 =	vld [tilespmem:s25+$0x4100];
	s8 =	sor.u32 s3, s28;
	[tilespmem:s30+$0x6100] =	vst v19;
	s30 =	sor.u32 s1, s22;
	s28 =	sor.u32 s31, s28  }
0x218: {  	s16 =	sor.u32 s3, s16;
	s22 =	sor.u32 s26, s22;
	[smem:$0x7D7] =	sst s9  }
0x219: {  	v31 =	vadd.s32 v5, v17;
	s9 =	sadd.s32 $0xF100, s29;
	[smem:$0x7DB] =	sst s28;
	[tilespmem:s30+$0x0] =	vst v25;
	s28 =	sor.u32 s31, s6  }
0x21a: {  	v28 =	vadd.s32 v3, v17;
	[tilespmem:s24+$0x0] =	vst v21;
	s30 =	smov.u32 s25;
	s24 =	sadd.s32 $0xC100, s7;
	s11 =	sor.u32 s3, s9  }
0x21b: {  	v16 =	vadd.s32 v2, v17;
	s9 =	sor.u32 s31, s9;
	[smem:$0x7DC] =	sst s28;
	s28 =	smov.u32 s20  }
0x21c: {  	v29 =	vadd.s32 v4, v17;
	v26 =	vld.idx.msk [tilespmem:v26+s0+$0x0], $0xffff;
	[smem:$0x7DA] =	sst s9;
	s9 =	smov.u32 s18;
	s18 =	sor.u32 s3, s6  }
0x21d: {  	v32 =	vld [tilespmem:s21+$0x4100];
	v19 =	vadd.s32 v8, v17;
	s6 =	sor.u32 s31, s17;
	s17 =	smov.u32 s21;
	[tilespmem:s15+$0x0] =	vst v22;
	s15 =	rddreg [dreg:$0x7]  }
0x21e: {  	v25 =	vadd.s32 v7, v17;
	s20 =	sor.u32 s31, s5;
	v31 =	vld.idx.msk [tilespmem:v31+s0+$0x0], $0xffff;
	s25 =	sor.u32 s26, s24;
	[dreg:$0x7] =	wrdreg s17  }
0x21f: {  	v17 =	vadd.s32 v6, v17;
	s24 =	sor.u32 s1, s24;
	v34 =	vld.idx.msk [tilespmem:v28+s0+$0x0], $0xffff;
	[tilespmem:s2+$0x0] =	vst v23;
	s2 =	sadd.s32 $0xB100, s7;
	s17 =	rddreg [dreg:$0xe]  }
0x220: {  	v11 =	vld.idx.msk [tilespmem:v16+s0+$0x0], $0xffff;
	s21 =	sor.u32 s26, s2;
	s2 =	sor.u32 s1, s2;
	s26 =	sld [smem:$0x7D7];
	v33 =	vshll.u32 v24, $0x4  }
0x221: {  	[tilespmem:s24+$0x0] =	vst v13;
	v36 =	vld.idx.msk [tilespmem:v29+s0+$0x0], $0xffff;
	s1 =	smov.u32 s3;
	s3 =	sld [smem:$0x7D8];
	s24 =	smov.u32 s18;
	v24 =	vor.u32 v1, v33  }
0x222: {  	s18 =	rddreg [dreg:$0x16];
	s5 =	smov.u32 s15;
	[tilespmem:s17+$0x0] =	vst v30;
	v16 =	vld.idx.msk [tilespmem:v19+s0+$0x0], $0xffff;
	s17 =	smov.u32 s31;
	v21 =	vadd.s32 v8, v33  }
0x223: {  	[tilespmem:s2+$0x0] =	vst v15;
	s2 =	smov.u32 s8;
	s8 =	smov.u32 s20;
	s20 =	sld [smem:$0x7D9];
	v29 =	vadd.s32 v7, v33;
	v22 =	vld.idx.msk [tilespmem:v25+s0+$0x0], $0xffff  }
0x224: {  	s31 =	smov.u32 s16;
	s16 =	rddreg [dreg:$0x15];
	v15 =	vadd.s32 v6, v33;
	v23 =	vld.idx.msk [tilespmem:v17+s0+$0x0], $0xffff;
	[tilespmem:s9+$0x0] =	vst v27;
	s15 =	smov.u32 s26  }
0x225: {  	v25 =	vadd.s32 v5, v33;
	[tilespmem:s3+$0x0] =	vst v12;
	s26 =	smov.u32 s10;
	s10 =	smov.u32 s11;
	s11 =	rddreg [dreg:$0x1c]  }
0x226: {  	s19 =	sadd.s32 $0x2, s19;
	v35 =	vadd.s32 v9, v33;
	[tilespmem:s5+$0x6100] =	vst v18;
	[dreg:$0xe] =	wrdreg s10;
	v19 =	vld.idx.msk [tilespmem:v24+s0+$0x0], $0xffff  }
0x227: {  	p0 =	slt.u32 s19, $0xFE;
	v30 =	vadd.s32 v3, v33;
	s10 =	sld [smem:$0x7DA];
	v12 =	vld.idx.msk [tilespmem:v21+s0+$0x0], $0xffff;
	[tilespmem:s18+$0x0] =	vst v14  }
.Ltmp6:
0x228: {  	s4 =	sadd.s32 $0x100, s4;
	[tilespmem:s11+$0x0] =	vst v26;
	s11 =	sld [smem:$0x7DB];
	v13 =	vld.idx.msk [tilespmem:v29+s0+$0x0], $0xffff;
	(pc) =	sbr.rel @p0 .LBB2_13-.Ltmp6, $4  }
0x229: {  	s12 =	sadd.s32 $0x20, s12;
	s13 =	sadd.s32 $0x8, s13;
	[tilespmem:s28+$0x0] =	vst v36;
	s28 =	sld [smem:$0x7DC];
	v15 =	vld.idx.msk [tilespmem:v15+s0+$0x0], $0xffff  }
0x22a: {  	s7 =	smov.u32 s29;
	s29 =	smov.u32 s14;
	s14 =	smov.u32 s23;
	v20 =	vadd.s32 v10, v33;
	v17 =	vshll.u32 v32, $0x4;
	[tilespmem:s16+$0x0] =	vst v31;
	v21 =	vld.idx.msk [tilespmem:v25+s0+$0x0], $0xffff  }
0x22b: {  	v28 =	vor.u32 v1, v17;
	v27 =	vadd.s32 v10, v17;
	s23 =	smov.u32 s20;
	[tilespmem:s22+$0x0] =	vst v34;
	s22 =	sadd.s32 $0x8100, s7;
	s18 =	smov.u32 s10;
	v14 =	vld.idx.msk [tilespmem:v35+s0+$0x0], $0xffff  }
0x22c: {  	v26 =	vadd.s32 v9, v17;
	v24 =	vadd.s32 v4, v33;
	s10 =	smov.u32 s6;
	s20 =	smov.u32 s11;
	v29 =	vadd.s32 v2, v33;
	s16 =	smov.u32 s28;
	v25 =	vld.idx.msk [tilespmem:v30+s0+$0x0], $0xffff  }
0x22d: {  	_ =	sdelay $0x2  }
0x22e: {  	s0 =	simm.s32 $0x0  }
0x22f: {  	v18 =	vld.idx.msk [tilespmem:v28+s0+$0x0], $0xffff  }
0x230: {  	v50 =	vadd.s32 v2, v17;
	v49 =	vld.idx.msk [tilespmem:v29+s0+$0x0], $0xffff  }
0x231: {  	v52 =	vadd.s32 v3, v17;
	v51 =	vld.idx.msk [tilespmem:v24+s0+$0x0], $0xffff  }
0x232: {  	[tilespmem:s21+$0x0] =	vst v23;
	v53 =	vadd.s32 v5, v17;
	v20 =	vld.idx.msk [tilespmem:v20+s0+$0x0], $0xffff  }
0x233: {  	v55 =	vadd.s32 v8, v17;
	[tilespmem:s25+$0x0] =	vst v22;
	v27 =	vld.idx.msk [tilespmem:v27+s0+$0x0], $0xffff  }
0x234: {  	v57 =	vadd.s32 v7, v17;
	[tilespmem:s30+$0x6100] =	vst v19;
	v54 =	vld.idx.msk [tilespmem:v26+s0+$0x0], $0xffff  }
0x235: {  	v59 =	vadd.s32 v6, v17;
	[tilespmem:s23+$0x0] =	vst v16;
	v56 =	vld.idx.msk [tilespmem:v50+s0+$0x0], $0xffff  }
0x236: {  	s3 =	sor.u32 s1, s22;
	[tilespmem:s14+$0x0] =	vst v11;
	v11 =	vadd.s32 v4, v17;
	v58 =	vld.idx.msk [tilespmem:v52+s0+$0x0], $0xffff  }
0x237: {  	[tilespmem:s3+$0x0] =	vst v25;
	v60 =	vld.idx.msk [tilespmem:v53+s0+$0x0], $0xffff  }
0x238: {  	v61 =	vld.idx.msk [tilespmem:v55+s0+$0x0], $0xffff;
	[tilespmem:s15+$0x0] =	vst v49  }
0x239: {  	v62 =	vld.idx.msk [tilespmem:v57+s0+$0x0], $0xffff;
	[tilespmem:s2+$0x0] =	vst v51  }
0x23a: {  	v63 =	vld.idx.msk [tilespmem:v59+s0+$0x0], $0xffff;
	[tilespmem:s24+$0x0] =	vst v21  }
0x23b: {  	v11 =	vld.idx.msk [tilespmem:v11+s0+$0x0], $0xffff;
	s4 =	rddreg [dreg:$0xe];
	[tilespmem:s29+$0x0] =	vst v54  }
0x23c: {  	s12 =	sadd.s32 $0xB100, s7;
	[tilespmem:s4+$0x0] =	vst v20  }
0x23d: {  	s14 =	sor.u32 s1, s12;
	[tilespmem:s18+$0x0] =	vst v27  }
0x23e: {  	s13 =	sadd.s32 $0xC100, s7;
	s19 =	sor.u32 s17, s22;
	[tilespmem:s14+$0x0] =	vst v15  }
0x23f: {  	s15 =	sor.u32 s1, s13;
	[tilespmem:s19+$0x0] =	vst v58  }
0x240: {  	[tilespmem:s15+$0x0] =	vst v13  }
0x241: {  	[tilespmem:s26+$0x0] =	vst v12  }
0x242: {  	[tilespmem:s20+$0x0] =	vst v11  }
0x243: {  	[tilespmem:s31+$0x0] =	vst v14  }
0x244: {  	[tilespmem:s16+$0x0] =	vst v60  }
0x245: {  	s21 =	rddreg [dreg:$0x7]  }
0x246: {  	s22 =	sor.u32 s17, s12;
	[tilespmem:s21+$0x6100] =	vst v18  }
0x247: {  	s23 =	sor.u32 s17, s13;
	[tilespmem:s22+$0x0] =	vst v63  }
0x248: {  	[tilespmem:s23+$0x0] =	vst v62  }
0x249: {  	[tilespmem:s10+$0x0] =	vst v61  }
0x24a: {  	[tilespmem:s8+$0x0] =	vst v56  }
0x24b: {  	s0 =	sld [smem:$0x7FC]  }
0x24c: {  	s28 =	simm.s32 $0x1  }
0x24d: {  	s25 =	simm.s32 $0x320000;
	s24 =	simm.s32 $0x1000;
	s26 =	simm.s32 $0x6100  }
0x24e: {  	[hbm4b:s0+s24] =	stream.strided.scatter [tilespmem:s26], [sflag:$0x1], $0xA000, s25, s24, $0x38;
	[tilespmem:$0x1A100] =	vst v63  }
0x24f: {  	_ =	swait.ge [sflag:s28], $0xA000  }
0x250: {  	[sflag:s28] =	ssyncset.done $0x0  }
0x251: {  	s29 =	simm.s32 $0x2;
	[sflag:s28] =	ssyncadd.s32 $0xFFFF6000  }
0x252: {  	_ =	swait.ge [sflag:s29], $0xA000  }
0x253: {  	s30 =	sld [smem:$0x7F1]  }
0x254: {  	s31 =	sld [smem:$0x7FD];
	_ =	sdelay $0x1  }
0x255: {  	s2 =	sadd.s32 $0x1, s30  }
0x256: {  	p0 =	sne.s32 s2, s31  }
.Ltmp7:
0x257: {  	_ = 	snop;
	(pc) =	sbr.rel @p0 .LBB2_1-.Ltmp7, $3  }
0x258: {  	_ =	sdelay $0x1  }
0x259: {  	[sflag:s29] =	ssyncset.done $0x0  }
0x25a: {  	[sflag:s29] =	ssyncadd.s32 $0xFFFF6000  }
0x25b: {  	_ =	sfence.sel $0x180000  }
0x25c: {  	[bflag:$0x0] =	sbarrier.arrive $0xFFFF  }
0x25d: {  	_ =	strace $0x90000047  }
0x25e: {  	s0 =	stileid.u32;
	[bflag:$0x2] =	sbarrier.arrive $0xFFFF  }
0x25f: {  	p0 =	sne.s32 s0, $0x0;
	s0 =	rddreg [dreg:$0x3]  }
0x260: {  	s0 =	sadd.s32 @!p0 $0x100000, s0  }
0x261: {  	[sflag:s0] =	ssyncadd.tile.s32 @!p0 $0x1;
	_ =	shalt  }
.Lfunc_end2:
_tile_overlayer_lowered:
.L_overlay_start_2:
0x262: {  	(tag) =	ssettag $0x2  }
0x263: {  	s0 =	rddreg [dreg:$0x0];
	s2 =	stileid.u32  }
0x264: {  	s1 =	rddreg [dreg:$0x1];
	p0 =	sne.s32 s2, $0x0  }
0x265: {  	s3 =	rddreg [dreg:$0x2];
	[bflag:$0x3] =	sbarrier.arrive $0xFFFF;
	s2 =	simm.s32 @!p0 $0x1C05  }
0x266: {  	[timem:s3], [sflag:s2] =	dma.local @!p0 [hbm:s0], s1  }
0x267: {  	s0 =	simm.s32 @!p0 $0x5  }
0x268: {  	_ =	swait.ge @!p0 [sflag:s0], s1  }
0x269: {  	s1 =	ssub.s32 @!p0 $0x0, s1;
	[sflag:s0] =	ssyncset.done @!p0 $0x0  }
0x26a: {  	[sflag:s0] =	ssyncadd.s32 @!p0 s1  }
0x26b: {  	[bflag:$0x3] =	sbarrier.arrive $0xFFFF  }
0x26c: {  	_ =	shalt  }

</sc_bundles>
